<compile_context>
chip_gen: v7x
topology: tpu7x:2x2x1
jax: 0.10.2.dev20260603
libtpu: 0.0.44.dev20260713+nightly
codegen_flags: <defaults>
</compile_context>

<pallas_src>
import jax
import jax.numpy as jnp
from jax import lax
from jax.experimental import pallas as pl
from jax.experimental.pallas import tpu as pltpu
from jax.experimental.pallas import tpu_sc as plsc

_B, _C, _N = 8, 3, 16384
_K = 2048
_L = 16
_TPB = 4
_CHUNK = _N // _TPB
_NV = _CHUNK // _L
_W = 2 * _L


def _fps_body(pts, out, x, y, z, dists, outv, pair, buf, shared):
    c = lax.axis_index("c")
    s = lax.axis_index("s")
    batch = c * (_B // 2) + s // _TPB
    t = s % _TPB
    base = t * _CHUNK

    pltpu.sync_copy(pts.at[batch, 0], x)
    pltpu.sync_copy(pts.at[batch, 1], y)
    pltpu.sync_copy(pts.at[batch, 2], z)

    inf16 = jnp.full((_L,), jnp.inf, jnp.float32)

    def fill(i, _):
        dists[pl.ds(i * _L, _L)] = inf16
        return 0

    lax.fori_loop(0, _NV, fill, 0)

    lane = lax.iota(jnp.int32, _L)
    lane0 = lane == 0
    zero16 = jnp.zeros((_L,), jnp.int32)

    def coords_of(widx):
        return (plsc.load_gather(x, [widx]),
                plsc.load_gather(y, [widx]),
                plsc.load_gather(z, [widx]))

    def record(kidx, lx, ly, lz):
        plsc.store_scatter(outv, [zero16, kidx], lx, mask=lane0)
        plsc.store_scatter(outv, [zero16 + 1, kidx], ly, mask=lane0)
        plsc.store_scatter(outv, [zero16 + 2, kidx], lz, mask=lane0)

    x0 = jnp.full((_L,), x[pl.ds(0, _L)][0])
    y0 = jnp.full((_L,), y[pl.ds(0, _L)][0])
    z0 = jnp.full((_L,), z[pl.ds(0, _L)][0])

    @pl.when(t == 0)
    def _():
        record(zero16, x0, y0, z0)

    def step(k, carry):
        lxv, lyv, lzv = carry

        mv0 = jnp.full((_L,), -1.0, jnp.float32)
        mi0 = jnp.zeros((_L,), jnp.int32)
        iv0 = jnp.full((_L,), base, jnp.int32) + lane

        @plsc.parallel_loop(0, _NV, 1, unroll=16, carry=(mv0, mi0, iv0))
        def inner(i, car):
            mv, mi, iv = car
            sl = pl.ds(i * _L, _L)
            gsl = pl.ds(base + i * _L, _L)
            dx = x[gsl] - lxv
            dy = y[gsl] - lyv
            dz = z[gsl] - lzv
            d = (dx * dx + dz * dz) + dy * dy
            nd = jnp.minimum(dists[sl], d)
            dists[sl] = nd
            gt = nd > mv
            mv = jnp.where(gt, nd, mv)
            mi = jnp.where(gt, iv, mi)
            return mv, mi, iv + _L

        mv, mi, _ = inner

        pair[pl.ds(0, _L)] = mv
        pair[pl.ds(_L, _L)] = mi.astype(jnp.float32)
        p = lax.rem(k, 2) * (16 * _W)
        pltpu.sync_copy(pair, shared.at[pl.ds(p + s * _W, _W)])
        plsc.subcore_barrier()
        g0 = (s // _TPB) * _TPB
        pltpu.sync_copy(shared.at[pl.ds(p + g0 * _W, _TPB * _W)], buf)

        av = buf[pl.ds(0, _L)]
        ai = buf[pl.ds(_L, _L)].astype(jnp.int32)
        for tt in range(1, _TPB):
            bv = buf[pl.ds(tt * _W, _L)]
            bi = buf[pl.ds(tt * _W + _L, _L)].astype(jnp.int32)
            g = bv > av
            av = jnp.where(g, bv, av)
            ai = jnp.where(g, bi, ai)
        mx = jnp.max(av)
        cand = jnp.where(av == mx, ai, jnp.int32(1 << 30))
        win = jnp.min(cand)
        winv = jnp.full((_L,), win, jnp.int32)

        nlx, nly, nlz = coords_of(winv)

        @pl.when(t == 0)
        def _():
            record(jnp.full((_L,), k, jnp.int32), nlx, nly, nlz)

        return nlx, nly, nlz

    lax.fori_loop(1, _K, step, (x0, y0, z0))

    @pl.when(t == 0)
    def _():
        pltpu.sync_copy(outv, out.at[batch])


@jax.jit
def kernel(points):
    mesh = plsc.VectorSubcoreMesh(core_axis_name="c", subcore_axis_name="s")
    f = pl.kernel(
        _fps_body,
        out_type=jax.ShapeDtypeStruct((_B, _C, _K), jnp.float32),
        mesh=mesh,
        compiler_params=pltpu.CompilerParams(
            use_tc_tiling_on_sc=False, needs_layout_passes=False),
        scratch_types=[
            pltpu.VMEM((_N,), jnp.float32),
            pltpu.VMEM((_N,), jnp.float32),
            pltpu.VMEM((_N,), jnp.float32),
            pltpu.VMEM((_CHUNK,), jnp.float32),
            pltpu.VMEM((_C, _K), jnp.float32),
            pltpu.VMEM((_W,), jnp.float32),
            pltpu.VMEM((_TPB * _W,), jnp.float32),
            pltpu.VMEM_SHARED((2 * 16 * _W,), jnp.float32),
        ],
    )
    return f(points)

# --- scband reference (transcript-rebuilt; emitter-appended) ---
"""Pipeline reference for scband-sample-11802570130409 (READ-ONLY COPY).

The authoritative reference and input builder live on the scoring server;
editing this copy changes nothing except your own understanding.
"""

import jax, jax.numpy as jnp
import numpy as np

NUM_POINTS = 2048


def _furthest_point_sampling(xyz, num_points):
    # xyz: [B, N, C] point coordinates
    B, N, C = xyz.shape
    init_idx = jnp.zeros((B,), dtype=jnp.int32)
    init_dists = jnp.full((B, N), jnp.inf, dtype=xyz.dtype)

    def step(carry, _):
        dists, last = carry
        last_pt = jnp.take_along_axis(xyz, last[:, None, None], axis=1)  # [B,1,C]
        d = jnp.sum((xyz - last_pt) ** 2, axis=-1)  # [B,N]
        dists = jnp.minimum(dists, d)
        nxt = jnp.argmax(dists, axis=-1).astype(jnp.int32)
        return (dists, nxt), nxt

    (_, _), rest = jax.lax.scan(step, (init_dists, init_idx), None, length=num_points - 1)
    idxs = jnp.concatenate([init_idx[None, :], rest], axis=0)  # [num_points, B]
    return jnp.transpose(idxs, (1, 0))  # [B, num_points]


def setup_inputs(seed: int = 0) -> dict:
    key = jax.random.key(seed)
    points = jax.random.normal(key, (8, 3, 16384), dtype=jnp.float32)
    return {"points": points}


def reference(points):
    # points: [B, C, N]; torch code permutes to [B, N, C] for FPS,
    # then gathers columns of points by the sampled indices.
    xyz = jnp.transpose(points, (0, 2, 1))  # [B, N, C]
    idxs = _furthest_point_sampling(xyz, NUM_POINTS)  # [B, num_points] int32
    new_points = jnp.take_along_axis(points, idxs[:, None, :], axis=2)  # [B, C, num_points]
    return new_points

if __name__ == "__main__":
    import jax
    _d = setup_inputs()
    print(jax.jit(kernel)(*tuple(_d.values())))

</pallas_src>

<mosaic_0001>
#map = affine_map<(d0, d1) -> (0, 0, 0)>
module attributes {stable_mosaic.version = 14 : i64} {
  func.func @_fps_body(%arg0: i32, %arg1: i32, %arg2: memref<8x3x16384xf32, #tpu.memory_space<hbm>>, %arg3: memref<8x3x2048xf32, #tpu.memory_space<hbm>>, %arg4: memref<16384xf32, #tpu.memory_space<vmem>>, %arg5: memref<16384xf32, #tpu.memory_space<vmem>>, %arg6: memref<16384xf32, #tpu.memory_space<vmem>>, %arg7: memref<4096xf32, #tpu.memory_space<vmem>>, %arg8: memref<3x2048xf32, #tpu.memory_space<vmem>>, %arg9: memref<32xf32, #tpu.memory_space<vmem>>, %arg10: memref<128xf32, #tpu.memory_space<vmem>>, %arg11: memref<1024xf32, #tpu.memory_space<vmem_shared>>) attributes {dimension_semantics = [#tpu.dimension_semantics<core_parallel>, #tpu.dimension_semantics<subcore_parallel>], iteration_bounds = array<i64: 2, 16>, scalar_prefetch = 0 : i64, scratch_operands = 8 : i64, tpu.core_type = #tpu.core_type<sc_vector_subcore>, window_params = [{transform_indices = #map}, {transform_indices = #map}]} {
    %mul3A = arith.constant 4 : i32
    %mul3A_0 = arith.muli %arg0, %mul3A : i32
    %jit3A = arith.constant 4 : i32
    %div3A = arith.divsi %arg1, %jit3A : i32
    %sign3A = arith.constant 0 : i32
    %sign3A_1 = arith.cmpi sgt, %arg1, %sign3A : i32
    %sign3A_2 = arith.extui %sign3A_1 : i1 to i32
    %sign3A_3 = arith.constant 0 : i32
    %sign3A_4 = arith.cmpi slt, %arg1, %sign3A_3 : i32
    %sign3A_5 = arith.extui %sign3A_4 : i1 to i32
    %sign3A_6 = arith.subi %sign3A_2, %sign3A_5 : i32
    %sign3A_7 = arith.constant 0 : i32
    %sign3A_8 = arith.cmpi sgt, %jit3A, %sign3A_7 : i32
    %sign3A_9 = arith.extui %sign3A_8 : i1 to i32
    %sign3A_10 = arith.constant 0 : i32
    %sign3A_11 = arith.cmpi slt, %jit3A, %sign3A_10 : i32
    %sign3A_12 = arith.extui %sign3A_11 : i1 to i32
    %sign3A_13 = arith.subi %sign3A_9, %sign3A_12 : i32
    %ne3A = arith.cmpi ne, %sign3A_6, %sign3A_13 : i32
    %rem3A = arith.remsi %arg1, %jit3A : i32
    %ne3A_14 = arith.constant 0 : i32
    %ne3A_15 = arith.cmpi ne, %rem3A, %ne3A_14 : i32
    %and3A = arith.andi %ne3A, %ne3A_15 : i1
    %sub3A = arith.constant 1 : i32
    %sub3A_16 = arith.subi %div3A, %sub3A : i32
    %select_n3A = arith.select %and3A, %sub3A_16, %div3A : i32
    %add3A = arith.addi %mul3A_0, %select_n3A : i32
    %jit3A_17 = arith.constant 4 : i32
    %eq3A = arith.constant 0 : i32
    %eq3A_18 = arith.cmpi eq, %jit3A_17, %eq3A : i32
    %jit3A_19 = arith.constant 1 : i32
    %select_n3A_20 = arith.select %eq3A_18, %jit3A_19, %jit3A_17 : i32
    %rem3A_21 = arith.remsi %arg1, %select_n3A_20 : i32
    %ne3A_22 = arith.constant 0 : i32
    %ne3A_23 = arith.cmpi ne, %rem3A_21, %ne3A_22 : i32
    %lt3A = arith.constant 0 : i32
    %lt3A_24 = arith.cmpi slt, %rem3A_21, %lt3A : i32
    %lt3A_25 = arith.constant 0 : i32
    %lt3A_26 = arith.cmpi slt, %select_n3A_20, %lt3A_25 : i32
    %ne3A_27 = arith.xori %lt3A_24, %lt3A_26 : i1
    %and3A_28 = arith.andi %ne3A_27, %ne3A_23 : i1
    %add3A_29 = arith.addi %rem3A_21, %select_n3A_20 : i32
    %select_n3A_30 = arith.select %and3A_28, %add3A_29, %rem3A_21 : i32
    %mul3A_31 = arith.constant 4096 : i32
    %mul3A_32 = arith.muli %select_n3A_30, %mul3A_31 : i32
    %run_scoped3A = arith.constant 0 : i32
    "tpu.region"() ({
      %run_scoped3A_73 = tpu.sem_alloc : memref<!tpu.dma_semaphore, #tpu.memory_space<semaphore_mem>>
      %dma_start3A = arith.constant 0 : i32
      %dma_start3A_74 = tpu.memref_slice %arg2[%add3A, %run_scoped3A, %dma_start3A] : memref<8x3x16384xf32, #tpu.memory_space<hbm>> -> memref<1x1x16384xf32, #tpu.memory_space<hbm>>
      %dma_start3A_75 = tpu.memref_squeeze %dma_start3A_74 : memref<1x1x16384xf32, #tpu.memory_space<hbm>> -> memref<16384xf32, #tpu.memory_space<hbm>>
      %dma_start3A_76 = arith.constant 0 : i32
      %dma_start3A_77 = tpu.memref_slice %arg2[%add3A, %run_scoped3A, %dma_start3A_76] : memref<8x3x16384xf32, #tpu.memory_space<hbm>> -> memref<1x1x16384xf32, #tpu.memory_space<hbm>>
      %dma_start3A_78 = tpu.memref_squeeze %dma_start3A_77 : memref<1x1x16384xf32, #tpu.memory_space<hbm>> -> memref<16384xf32, #tpu.memory_space<hbm>>
      tpu.enqueue_dma source(%dma_start3A_78 : memref<16384xf32, #tpu.memory_space<hbm>>) target(%arg4 : memref<16384xf32, #tpu.memory_space<vmem>>) target_semaphore(%run_scoped3A_73 : memref<!tpu.dma_semaphore, #tpu.memory_space<semaphore_mem>>)
      %dma_wait3A = arith.constant 0 : i32
      %dma_wait3A_79 = tpu.memref_slice %arg2[%add3A, %run_scoped3A, %dma_wait3A] : memref<8x3x16384xf32, #tpu.memory_space<hbm>> -> memref<1x1x16384xf32, #tpu.memory_space<hbm>>
      %dma_wait3A_80 = tpu.memref_squeeze %dma_wait3A_79 : memref<1x1x16384xf32, #tpu.memory_space<hbm>> -> memref<16384xf32, #tpu.memory_space<hbm>>
      %dma_wait3A_81 = arith.constant 0 : i32
      %dma_wait3A_82 = tpu.memref_slice %arg2[%add3A, %run_scoped3A, %dma_wait3A_81] : memref<8x3x16384xf32, #tpu.memory_space<hbm>> -> memref<1x1x16384xf32, #tpu.memory_space<hbm>>
      %dma_wait3A_83 = tpu.memref_squeeze %dma_wait3A_82 : memref<1x1x16384xf32, #tpu.memory_space<hbm>> -> memref<16384xf32, #tpu.memory_space<hbm>>
      tpu.wait_dma2 semaphore(%run_scoped3A_73 : memref<!tpu.dma_semaphore, #tpu.memory_space<semaphore_mem>>) src(%dma_wait3A_83 : memref<16384xf32, #tpu.memory_space<hbm>>) dst(%arg4 : memref<16384xf32, #tpu.memory_space<vmem>>)
      tpu.yield
    }) : () -> ()
    %run_scoped3A_33 = arith.constant 1 : i32
    "tpu.region"() ({
      %run_scoped3A_73 = tpu.sem_alloc : memref<!tpu.dma_semaphore, #tpu.memory_space<semaphore_mem>>
      %dma_start3A = arith.constant 0 : i32
      %dma_start3A_74 = tpu.memref_slice %arg2[%add3A, %run_scoped3A_33, %dma_start3A] : memref<8x3x16384xf32, #tpu.memory_space<hbm>> -> memref<1x1x16384xf32, #tpu.memory_space<hbm>>
      %dma_start3A_75 = tpu.memref_squeeze %dma_start3A_74 : memref<1x1x16384xf32, #tpu.memory_space<hbm>> -> memref<16384xf32, #tpu.memory_space<hbm>>
      %dma_start3A_76 = arith.constant 0 : i32
      %dma_start3A_77 = tpu.memref_slice %arg2[%add3A, %run_scoped3A_33, %dma_start3A_76] : memref<8x3x16384xf32, #tpu.memory_space<hbm>> -> memref<1x1x16384xf32, #tpu.memory_space<hbm>>
      %dma_start3A_78 = tpu.memref_squeeze %dma_start3A_77 : memref<1x1x16384xf32, #tpu.memory_space<hbm>> -> memref<16384xf32, #tpu.memory_space<hbm>>
      tpu.enqueue_dma source(%dma_start3A_78 : memref<16384xf32, #tpu.memory_space<hbm>>) target(%arg5 : memref<16384xf32, #tpu.memory_space<vmem>>) target_semaphore(%run_scoped3A_73 : memref<!tpu.dma_semaphore, #tpu.memory_space<semaphore_mem>>)
      %dma_wait3A = arith.constant 0 : i32
      %dma_wait3A_79 = tpu.memref_slice %arg2[%add3A, %run_scoped3A_33, %dma_wait3A] : memref<8x3x16384xf32, #tpu.memory_space<hbm>> -> memref<1x1x16384xf32, #tpu.memory_space<hbm>>
      %dma_wait3A_80 = tpu.memref_squeeze %dma_wait3A_79 : memref<1x1x16384xf32, #tpu.memory_space<hbm>> -> memref<16384xf32, #tpu.memory_space<hbm>>
      %dma_wait3A_81 = arith.constant 0 : i32
      %dma_wait3A_82 = tpu.memref_slice %arg2[%add3A, %run_scoped3A_33, %dma_wait3A_81] : memref<8x3x16384xf32, #tpu.memory_space<hbm>> -> memref<1x1x16384xf32, #tpu.memory_space<hbm>>
      %dma_wait3A_83 = tpu.memref_squeeze %dma_wait3A_82 : memref<1x1x16384xf32, #tpu.memory_space<hbm>> -> memref<16384xf32, #tpu.memory_space<hbm>>
      tpu.wait_dma2 semaphore(%run_scoped3A_73 : memref<!tpu.dma_semaphore, #tpu.memory_space<semaphore_mem>>) src(%dma_wait3A_83 : memref<16384xf32, #tpu.memory_space<hbm>>) dst(%arg5 : memref<16384xf32, #tpu.memory_space<vmem>>)
      tpu.yield
    }) : () -> ()
    %run_scoped3A_34 = arith.constant 2 : i32
    "tpu.region"() ({
      %run_scoped3A_73 = tpu.sem_alloc : memref<!tpu.dma_semaphore, #tpu.memory_space<semaphore_mem>>
      %dma_start3A = arith.constant 0 : i32
      %dma_start3A_74 = tpu.memref_slice %arg2[%add3A, %run_scoped3A_34, %dma_start3A] : memref<8x3x16384xf32, #tpu.memory_space<hbm>> -> memref<1x1x16384xf32, #tpu.memory_space<hbm>>
      %dma_start3A_75 = tpu.memref_squeeze %dma_start3A_74 : memref<1x1x16384xf32, #tpu.memory_space<hbm>> -> memref<16384xf32, #tpu.memory_space<hbm>>
      %dma_start3A_76 = arith.constant 0 : i32
      %dma_start3A_77 = tpu.memref_slice %arg2[%add3A, %run_scoped3A_34, %dma_start3A_76] : memref<8x3x16384xf32, #tpu.memory_space<hbm>> -> memref<1x1x16384xf32, #tpu.memory_space<hbm>>
      %dma_start3A_78 = tpu.memref_squeeze %dma_start3A_77 : memref<1x1x16384xf32, #tpu.memory_space<hbm>> -> memref<16384xf32, #tpu.memory_space<hbm>>
      tpu.enqueue_dma source(%dma_start3A_78 : memref<16384xf32, #tpu.memory_space<hbm>>) target(%arg6 : memref<16384xf32, #tpu.memory_space<vmem>>) target_semaphore(%run_scoped3A_73 : memref<!tpu.dma_semaphore, #tpu.memory_space<semaphore_mem>>)
      %dma_wait3A = arith.constant 0 : i32
      %dma_wait3A_79 = tpu.memref_slice %arg2[%add3A, %run_scoped3A_34, %dma_wait3A] : memref<8x3x16384xf32, #tpu.memory_space<hbm>> -> memref<1x1x16384xf32, #tpu.memory_space<hbm>>
      %dma_wait3A_80 = tpu.memref_squeeze %dma_wait3A_79 : memref<1x1x16384xf32, #tpu.memory_space<hbm>> -> memref<16384xf32, #tpu.memory_space<hbm>>
      %dma_wait3A_81 = arith.constant 0 : i32
      %dma_wait3A_82 = tpu.memref_slice %arg2[%add3A, %run_scoped3A_34, %dma_wait3A_81] : memref<8x3x16384xf32, #tpu.memory_space<hbm>> -> memref<1x1x16384xf32, #tpu.memory_space<hbm>>
      %dma_wait3A_83 = tpu.memref_squeeze %dma_wait3A_82 : memref<1x1x16384xf32, #tpu.memory_space<hbm>> -> memref<16384xf32, #tpu.memory_space<hbm>>
      tpu.wait_dma2 semaphore(%run_scoped3A_73 : memref<!tpu.dma_semaphore, #tpu.memory_space<semaphore_mem>>) src(%dma_wait3A_83 : memref<16384xf32, #tpu.memory_space<hbm>>) dst(%arg6 : memref<16384xf32, #tpu.memory_space<vmem>>)
      tpu.yield
    }) : () -> ()
    %broadcast_in_dim3A = arith.constant 0x7F800000 : f32
    %broadcast_in_dim3A_35 = vector.broadcast %broadcast_in_dim3A : f32 to vector<16xf32>
    %scan3A = arith.constant 0 : i32
    %scan3A_36 = arith.constant 0 : i32
    %scan3A_37 = arith.constant 256 : i32
    %scan3A_38 = arith.addi %scan3A_36, %scan3A_37 : i32
    %scan3A_39 = arith.constant 1 : i32
    %scan3A_40 = scf.for %scan3A_73 = %scan3A_36 to %scan3A_38 step %scan3A_39 iter_args(%scan3A_74 = %scan3A) -> (i32)  : i32 {
      %mul3A_75 = arith.constant 16 : i32
      %mul3A_76 = arith.muli %scan3A_73, %mul3A_75 : i32
      %swap3A = arith.index_cast %mul3A_76 : i32 to index
      %swap3A_77 = tpu.vector_load %arg7[%swap3A] {strides = array<i32>} : memref<4096xf32, #tpu.memory_space<vmem>>, vector<16xf32>,
      tpu.vector_store %arg7[%swap3A], %broadcast_in_dim3A_35 {strides = array<i32>} : memref<4096xf32, #tpu.memory_space<vmem>>, vector<16xf32>,
      %scan3A_78 = arith.constant 0 : i32
      scf.yield %scan3A_78 : i32
    }
    %scan3A_41 = arith.constant 256 : i32
    %iota3A = tpu.iota {dimensions = array<i32: 0>} : vector<16xi32>
    %eq3A_42 = arith.constant 0 : i32
    %eq3A_43 = vector.broadcast %eq3A_42 : i32 to vector<16xi32>
    %eq3A_44 = arith.cmpi eq, %iota3A, %eq3A_43 : vector<16xi32>
    %broadcast_in_dim3A_45 = arith.constant 0 : i32
    %broadcast_in_dim3A_46 = vector.broadcast %broadcast_in_dim3A_45 : i32 to vector<16xi32>
    %get3A = arith.constant 0 : index
    %get3A_47 = tpu.vector_load %arg4[%get3A] {strides = array<i32>} : memref<16384xf32, #tpu.memory_space<vmem>>, vector<16xf32>,
    %slice3A = vector.extract_strided_slice %get3A_47 {offsets = [0], sizes = [1], strides = [1]} : vector<16xf32> to vector<1xf32>
    %squeeze3A = vector.extract %slice3A[0] : f32 from vector<1xf32>
    %broadcast_in_dim3A_48 = vector.broadcast %squeeze3A : f32 to vector<16xf32>
    %get3A_49 = arith.constant 0 : index
    %get3A_50 = tpu.vector_load %arg5[%get3A_49] {strides = array<i32>} : memref<16384xf32, #tpu.memory_space<vmem>>, vector<16xf32>,
    %slice3A_51 = vector.extract_strided_slice %get3A_50 {offsets = [0], sizes = [1], strides = [1]} : vector<16xf32> to vector<1xf32>
    %squeeze3A_52 = vector.extract %slice3A_51[0] : f32 from vector<1xf32>
    %broadcast_in_dim3A_53 = vector.broadcast %squeeze3A_52 : f32 to vector<16xf32>
    %get3A_54 = arith.constant 0 : index
    %get3A_55 = tpu.vector_load %arg6[%get3A_54] {strides = array<i32>} : memref<16384xf32, #tpu.memory_space<vmem>>, vector<16xf32>,
    %slice3A_56 = vector.extract_strided_slice %get3A_55 {offsets = [0], sizes = [1], strides = [1]} : vector<16xf32> to vector<1xf32>
    %squeeze3A_57 = vector.extract %slice3A_56[0] : f32 from vector<1xf32>
    %broadcast_in_dim3A_58 = vector.broadcast %squeeze3A_57 : f32 to vector<16xf32>
    %eq3A_59 = arith.constant 0 : i32
    %eq3A_60 = arith.cmpi eq, %select_n3A_30, %eq3A_59 : i32
    %convert_element_type3A = arith.extui %eq3A_60 : i1 to i32
    %cond3A = arith.constant 0 : i32
    %cond3A_61 = arith.cmpi ne, %convert_element_type3A, %cond3A : i32
    scf.if %cond3A_61 {
      tpu.vector_store_idx %arg8[%broadcast_in_dim3A_46, %broadcast_in_dim3A_46], %broadcast_in_dim3A_48 masked %eq3A_44 : memref<3x2048xf32, #tpu.memory_space<vmem>>[vector<16xi32>, vector<16xi32>], vector<16xf32>, vector<16xi1>
      %add3A_73 = arith.constant 1 : i32
      %add3A_74 = vector.broadcast %add3A_73 : i32 to vector<16xi32>
      %add3A_75 = arith.addi %broadcast_in_dim3A_46, %add3A_74 : vector<16xi32>
      tpu.vector_store_idx %arg8[%add3A_75, %broadcast_in_dim3A_46], %broadcast_in_dim3A_53 masked %eq3A_44 : memref<3x2048xf32, #tpu.memory_space<vmem>>[vector<16xi32>, vector<16xi32>], vector<16xf32>, vector<16xi1>
      %add3A_76 = arith.constant 2 : i32
      %add3A_77 = vector.broadcast %add3A_76 : i32 to vector<16xi32>
      %add3A_78 = arith.addi %broadcast_in_dim3A_46, %add3A_77 : vector<16xi32>
      tpu.vector_store_idx %arg8[%add3A_78, %broadcast_in_dim3A_46], %broadcast_in_dim3A_58 masked %eq3A_44 : memref<3x2048xf32, #tpu.memory_space<vmem>>[vector<16xi32>, vector<16xi32>], vector<16xf32>, vector<16xi1>
    } else {
    }
    %scan3A_62 = arith.constant 1 : i32
    %scan3A_63 = arith.constant 2047 : i32
    %scan3A_64 = arith.addi %scan3A_62, %scan3A_63 : i32
    %scan3A_65 = arith.constant 1 : i32
    %scan3A_66:3 = scf.for %scan3A_73 = %scan3A_62 to %scan3A_64 step %scan3A_65 iter_args(%scan3A_74 = %broadcast_in_dim3A_48, %scan3A_75 = %broadcast_in_dim3A_53, %scan3A_76 = %broadcast_in_dim3A_58) -> (vector<16xf32>, vector<16xf32>, vector<16xf32>)  : i32 {
      %broadcast_in_dim3A_77 = arith.constant -1.000000e+00 : f32
      %broadcast_in_dim3A_78 = vector.broadcast %broadcast_in_dim3A_77 : f32 to vector<16xf32>
      %broadcast_in_dim3A_79 = arith.constant 0 : i32
      %broadcast_in_dim3A_80 = vector.broadcast %broadcast_in_dim3A_79 : i32 to vector<16xi32>
      %broadcast_in_dim3A_81 = vector.broadcast %mul3A_32 : i32 to vector<16xi32>
      %add3A_82 = arith.addi %broadcast_in_dim3A_81, %iota3A : vector<16xi32>
      %parallel_loop3A = arith.constant 0 : i32
      %parallel_loop3A_83 = arith.constant 256 : i32
      %parallel_loop3A_84 = arith.constant 1 : i32
      %parallel_loop3A_85:3 = scf.for %parallel_loop3A_177 = %parallel_loop3A to %parallel_loop3A_83 step %parallel_loop3A_84 iter_args(%parallel_loop3A_178 = %broadcast_in_dim3A_78, %parallel_loop3A_179 = %broadcast_in_dim3A_80, %parallel_loop3A_180 = %add3A_82) -> (vector<16xf32>, vector<16xi32>, vector<16xi32>)  : i32 {
        %parallel_loop3A_181 = arith.constant 16 : i32
        %parallel_loop3A_182 = arith.muli %parallel_loop3A_177, %parallel_loop3A_181 : i32
        %parallel_loop3A_183 = arith.constant 16 : i32
        %parallel_loop3A_184 = arith.muli %parallel_loop3A_177, %parallel_loop3A_183 : i32
        %parallel_loop3A_185 = arith.addi %mul3A_32, %parallel_loop3A_184 : i32
        %parallel_loop3A_186 = arith.index_cast %parallel_loop3A_185 : i32 to index
        %parallel_loop3A_187 = tpu.vector_load %arg4[%parallel_loop3A_186] {strides = array<i32>} : memref<16384xf32, #tpu.memory_space<vmem>>, vector<16xf32>,
        %parallel_loop3A_188 = arith.subf %parallel_loop3A_187, %scan3A_74 : vector<16xf32>
        %parallel_loop3A_189 = arith.index_cast %parallel_loop3A_185 : i32 to index
        %parallel_loop3A_190 = tpu.vector_load %arg5[%parallel_loop3A_189] {strides = array<i32>} : memref<16384xf32, #tpu.memory_space<vmem>>, vector<16xf32>,
        %parallel_loop3A_191 = arith.subf %parallel_loop3A_190, %scan3A_75 : vector<16xf32>
        %parallel_loop3A_192 = arith.index_cast %parallel_loop3A_185 : i32 to index
        %parallel_loop3A_193 = tpu.vector_load %arg6[%parallel_loop3A_192] {strides = array<i32>} : memref<16384xf32, #tpu.memory_space<vmem>>, vector<16xf32>,
        %parallel_loop3A_194 = arith.subf %parallel_loop3A_193, %scan3A_76 : vector<16xf32>
        %parallel_loop3A_195 = arith.mulf %parallel_loop3A_188, %parallel_loop3A_188 : vector<16xf32>
        %parallel_loop3A_196 = arith.mulf %parallel_loop3A_194, %parallel_loop3A_194 : vector<16xf32>
        %parallel_loop3A_197 = arith.addf %parallel_loop3A_195, %parallel_loop3A_196 : vector<16xf32>
        %parallel_loop3A_198 = arith.mulf %parallel_loop3A_191, %parallel_loop3A_191 : vector<16xf32>
        %parallel_loop3A_199 = arith.addf %parallel_loop3A_197, %parallel_loop3A_198 : vector<16xf32>
        %parallel_loop3A_200 = arith.index_cast %parallel_loop3A_182 : i32 to index
        %parallel_loop3A_201 = tpu.vector_load %arg7[%parallel_loop3A_200] {strides = array<i32>} : memref<4096xf32, #tpu.memory_space<vmem>>, vector<16xf32>,
        %parallel_loop3A_202 = arith.minimumf %parallel_loop3A_201, %parallel_loop3A_199 : vector<16xf32>
        %parallel_loop3A_203 = arith.index_cast %parallel_loop3A_182 : i32 to index
        %parallel_loop3A_204 = tpu.vector_load %arg7[%parallel_loop3A_203] {strides = array<i32>} : memref<4096xf32, #tpu.memory_space<vmem>>, vector<16xf32>,
        tpu.vector_store %arg7[%parallel_loop3A_203], %parallel_loop3A_202 {strides = array<i32>} : memref<4096xf32, #tpu.memory_space<vmem>>, vector<16xf32>,
        %parallel_loop3A_205 = arith.cmpf ogt, %parallel_loop3A_202, %parallel_loop3A_178 : vector<16xf32>
        %parallel_loop3A_206 = arith.select %parallel_loop3A_205, %parallel_loop3A_202, %parallel_loop3A_178 : vector<16xi1>, vector<16xf32>
        %parallel_loop3A_207 = arith.select %parallel_loop3A_205, %parallel_loop3A_180, %parallel_loop3A_179 : vector<16xi1>, vector<16xi32>
        %parallel_loop3A_208 = arith.constant 16 : i32
        %parallel_loop3A_209 = vector.broadcast %parallel_loop3A_208 : i32 to vector<16xi32>
        %parallel_loop3A_210 = arith.addi %parallel_loop3A_180, %parallel_loop3A_209 : vector<16xi32>
        scf.yield %parallel_loop3A_206, %parallel_loop3A_207, %parallel_loop3A_210 : vector<16xf32>, vector<16xi32>, vector<16xi32>
      } {sc.loop_unroll_factor = 16 : i64, sc.parallel_access}
      %swap3A = arith.constant 0 : index
      %swap3A_86 = tpu.vector_load %arg9[%swap3A] {strides = array<i32>} : memref<32xf32, #tpu.memory_space<vmem>>, vector<16xf32>,
      tpu.vector_store %arg9[%swap3A], %parallel_loop3A_85#0 {strides = array<i32>} : memref<32xf32, #tpu.memory_space<vmem>>, vector<16xf32>,
      %convert_element_type3A_87 = arith.sitofp %parallel_loop3A_85#1 : vector<16xi32> to vector<16xf32>
      %swap3A_88 = arith.constant 16 : index
      %swap3A_89 = tpu.vector_load %arg9[%swap3A_88] {strides = array<i32>} : memref<32xf32, #tpu.memory_space<vmem>>, vector<16xf32>,
      tpu.vector_store %arg9[%swap3A_88], %convert_element_type3A_87 {strides = array<i32>} : memref<32xf32, #tpu.memory_space<vmem>>, vector<16xf32>,
      %rem3A_90 = arith.constant 2 : i32
      %rem3A_91 = arith.remsi %scan3A_73, %rem3A_90 : i32
      %mul3A_92 = arith.constant 512 : i32
      %mul3A_93 = arith.muli %rem3A_91, %mul3A_92 : i32
      %mul3A_94 = arith.constant 32 : i32
      %mul3A_95 = arith.muli %arg1, %mul3A_94 : i32
      %add3A_96 = arith.addi %mul3A_93, %mul3A_95 : i32
      "tpu.region"() ({
        %run_scoped3A_177 = tpu.sem_alloc : memref<!tpu.dma_semaphore, #tpu.memory_space<semaphore_mem>>
        %dma_start3A = tpu.memref_slice %arg11[%add3A_96] : memref<1024xf32, #tpu.memory_space<vmem_shared>> -> memref<32xf32, #tpu.memory_space<vmem_shared>>
        %dma_start3A_178 = tpu.memref_slice %arg11[%add3A_96] : memref<1024xf32, #tpu.memory_space<vmem_shared>> -> memref<32xf32, #tpu.memory_space<vmem_shared>>
        tpu.enqueue_dma source(%arg9 : memref<32xf32, #tpu.memory_space<vmem>>) target(%dma_start3A_178 : memref<32xf32, #tpu.memory_space<vmem_shared>>) target_semaphore(%run_scoped3A_177 : memref<!tpu.dma_semaphore, #tpu.memory_space<semaphore_mem>>)
        %dma_wait3A = tpu.memref_slice %arg11[%add3A_96] : memref<1024xf32, #tpu.memory_space<vmem_shared>> -> memref<32xf32, #tpu.memory_space<vmem_shared>>
        %dma_wait3A_179 = tpu.memref_slice %arg11[%add3A_96] : memref<1024xf32, #tpu.memory_space<vmem_shared>> -> memref<32xf32, #tpu.memory_space<vmem_shared>>
        tpu.wait_dma2 semaphore(%run_scoped3A_177 : memref<!tpu.dma_semaphore, #tpu.memory_space<semaphore_mem>>) src(%arg9 : memref<32xf32, #tpu.memory_space<vmem>>) dst(%dma_wait3A_179 : memref<32xf32, #tpu.memory_space<vmem_shared>>)
        tpu.yield
      }) : () -> ()
      %barrier3A = arith.constant 0 : index
      tpu.barrier barrier_id(%barrier3A)
      %jit3A_97 = arith.constant 4 : i32
      %div3A_98 = arith.divsi %arg1, %jit3A_97 : i32
      %sign3A_99 = arith.constant 0 : i32
      %sign3A_100 = arith.cmpi sgt, %arg1, %sign3A_99 : i32
      %sign3A_101 = arith.extui %sign3A_100 : i1 to i32
      %sign3A_102 = arith.constant 0 : i32
      %sign3A_103 = arith.cmpi slt, %arg1, %sign3A_102 : i32
      %sign3A_104 = arith.extui %sign3A_103 : i1 to i32
      %sign3A_105 = arith.subi %sign3A_101, %sign3A_104 : i32
      %sign3A_106 = arith.constant 0 : i32
      %sign3A_107 = arith.cmpi sgt, %jit3A_97, %sign3A_106 : i32
      %sign3A_108 = arith.extui %sign3A_107 : i1 to i32
      %sign3A_109 = arith.constant 0 : i32
      %sign3A_110 = arith.cmpi slt, %jit3A_97, %sign3A_109 : i32
      %sign3A_111 = arith.extui %sign3A_110 : i1 to i32
      %sign3A_112 = arith.subi %sign3A_108, %sign3A_111 : i32
      %ne3A_113 = arith.cmpi ne, %sign3A_105, %sign3A_112 : i32
      %rem3A_114 = arith.remsi %arg1, %jit3A_97 : i32
      %ne3A_115 = arith.constant 0 : i32
      %ne3A_116 = arith.cmpi ne, %rem3A_114, %ne3A_115 : i32
      %and3A_117 = arith.andi %ne3A_113, %ne3A_116 : i1
      %sub3A_118 = arith.constant 1 : i32
      %sub3A_119 = arith.subi %div3A_98, %sub3A_118 : i32
      %select_n3A_120 = arith.select %and3A_117, %sub3A_119, %div3A_98 : i32
      %mul3A_121 = arith.constant 4 : i32
      %mul3A_122 = arith.muli %select_n3A_120, %mul3A_121 : i32
      %mul3A_123 = arith.constant 32 : i32
      %mul3A_124 = arith.muli %mul3A_122, %mul3A_123 : i32
      %add3A_125 = arith.addi %mul3A_93, %mul3A_124 : i32
      "tpu.region"() ({
        %run_scoped3A_177 = tpu.sem_alloc : memref<!tpu.dma_semaphore, #tpu.memory_space<semaphore_mem>>
        %dma_start3A = tpu.memref_slice %arg11[%add3A_125] : memref<1024xf32, #tpu.memory_space<vmem_shared>> -> memref<128xf32, #tpu.memory_space<vmem_shared>>
        %dma_start3A_178 = tpu.memref_slice %arg11[%add3A_125] : memref<1024xf32, #tpu.memory_space<vmem_shared>> -> memref<128xf32, #tpu.memory_space<vmem_shared>>
        tpu.enqueue_dma source(%dma_start3A_178 : memref<128xf32, #tpu.memory_space<vmem_shared>>) target(%arg10 : memref<128xf32, #tpu.memory_space<vmem>>) target_semaphore(%run_scoped3A_177 : memref<!tpu.dma_semaphore, #tpu.memory_space<semaphore_mem>>)
        %dma_wait3A = tpu.memref_slice %arg11[%add3A_125] : memref<1024xf32, #tpu.memory_space<vmem_shared>> -> memref<128xf32, #tpu.memory_space<vmem_shared>>
        %dma_wait3A_179 = tpu.memref_slice %arg11[%add3A_125] : memref<1024xf32, #tpu.memory_space<vmem_shared>> -> memref<128xf32, #tpu.memory_space<vmem_shared>>
        tpu.wait_dma2 semaphore(%run_scoped3A_177 : memref<!tpu.dma_semaphore, #tpu.memory_space<semaphore_mem>>) src(%dma_wait3A_179 : memref<128xf32, #tpu.memory_space<vmem_shared>>) dst(%arg10 : memref<128xf32, #tpu.memory_space<vmem>>)
        tpu.yield
      }) : () -> ()
      %get3A_126 = arith.constant 0 : index
      %get3A_127 = tpu.vector_load %arg10[%get3A_126] {strides = array<i32>} : memref<128xf32, #tpu.memory_space<vmem>>, vector<16xf32>,
      %get3A_128 = arith.constant 16 : index
      %get3A_129 = tpu.vector_load %arg10[%get3A_128] {strides = array<i32>} : memref<128xf32, #tpu.memory_space<vmem>>, vector<16xf32>,
      %convert_element_type3A_130 = arith.fptosi %get3A_129 : vector<16xf32> to vector<16xi32>
      %get3A_131 = arith.constant 32 : index
      %get3A_132 = tpu.vector_load %arg10[%get3A_131] {strides = array<i32>} : memref<128xf32, #tpu.memory_space<vmem>>, vector<16xf32>,
      %get3A_133 = arith.constant 48 : index
      %get3A_134 = tpu.vector_load %arg10[%get3A_133] {strides = array<i32>} : memref<128xf32, #tpu.memory_space<vmem>>, vector<16xf32>,
      %convert_element_type3A_135 = arith.fptosi %get3A_134 : vector<16xf32> to vector<16xi32>
      %gt3A = arith.cmpf ogt, %get3A_132, %get3A_127 : vector<16xf32>
      %select_n3A_136 = arith.select %gt3A, %get3A_132, %get3A_127 : vector<16xi1>, vector<16xf32>
      %select_n3A_137 = arith.select %gt3A, %convert_element_type3A_135, %convert_element_type3A_130 : vector<16xi1>, vector<16xi32>
      %get3A_138 = arith.constant 64 : index
      %get3A_139 = tpu.vector_load %arg10[%get3A_138] {strides = array<i32>} : memref<128xf32, #tpu.memory_space<vmem>>, vector<16xf32>,
      %get3A_140 = arith.constant 80 : index
      %get3A_141 = tpu.vector_load %arg10[%get3A_140] {strides = array<i32>} : memref<128xf32, #tpu.memory_space<vmem>>, vector<16xf32>,
      %convert_element_type3A_142 = arith.fptosi %get3A_141 : vector<16xf32> to vector<16xi32>
      %gt3A_143 = arith.cmpf ogt, %get3A_139, %select_n3A_136 : vector<16xf32>
      %select_n3A_144 = arith.select %gt3A_143, %get3A_139, %select_n3A_136 : vector<16xi1>, vector<16xf32>
      %select_n3A_145 = arith.select %gt3A_143, %convert_element_type3A_142, %select_n3A_137 : vector<16xi1>, vector<16xi32>
      %get3A_146 = arith.constant 96 : index
      %get3A_147 = tpu.vector_load %arg10[%get3A_146] {strides = array<i32>} : memref<128xf32, #tpu.memory_space<vmem>>, vector<16xf32>,
      %get3A_148 = arith.constant 112 : index
      %get3A_149 = tpu.vector_load %arg10[%get3A_148] {strides = array<i32>} : memref<128xf32, #tpu.memory_space<vmem>>, vector<16xf32>,
      %convert_element_type3A_150 = arith.fptosi %get3A_149 : vector<16xf32> to vector<16xi32>
      %gt3A_151 = arith.cmpf ogt, %get3A_147, %select_n3A_144 : vector<16xf32>
      %select_n3A_152 = arith.select %gt3A_151, %get3A_147, %select_n3A_144 : vector<16xi1>, vector<16xf32>
      %select_n3A_153 = arith.select %gt3A_151, %convert_element_type3A_150, %select_n3A_145 : vector<16xi1>, vector<16xi32>
      %reduce_max3A = arith.constant true
      %reduce_max3A_154 = vector.broadcast %reduce_max3A : i1 to vector<16xi1>
      %reduce_max3A_155 = tpu.scan <max>, %select_n3A_152 masked %reduce_max3A_154 : vector<16xf32>, vector<16xi1> -> vector<16xf32>
      %reduce_max3A_156 = vector.extract %reduce_max3A_155[15] : f32 from vector<16xf32>
      %eq3A_157 = vector.broadcast %reduce_max3A_156 : f32 to vector<16xf32>
      %eq3A_158 = arith.cmpf oeq, %select_n3A_152, %eq3A_157 : vector<16xf32>
      %jit3A_159 = arith.constant 1073741824 : i32
      %broadcast_in_dim3A_160 = vector.broadcast %jit3A_159 : i32 to vector<16xi32>
      %select_n3A_161 = arith.select %eq3A_158, %select_n3A_153, %broadcast_in_dim3A_160 : vector<16xi1>, vector<16xi32>
      %reduce_min3A = arith.constant true
      %reduce_min3A_162 = vector.broadcast %reduce_min3A : i1 to vector<16xi1>
      %reduce_min3A_163 = arith.constant -2147483648 : i32
      %reduce_min3A_164 = vector.broadcast %reduce_min3A_163 : i32 to vector<16xi32>
      %reduce_min3A_165 = arith.xori %select_n3A_161, %reduce_min3A_164 : vector<16xi32>
      %reduce_min3A_166 = tpu.scan <min>, %reduce_min3A_165 masked %reduce_min3A_162 : vector<16xi32>, vector<16xi1> -> vector<16xi32>
      %reduce_min3A_167 = arith.xori %reduce_min3A_166, %reduce_min3A_164 : vector<16xi32>
      %reduce_min3A_168 = vector.extract %reduce_min3A_167[15] : i32 from vector<16xi32>
      %broadcast_in_dim3A_169 = vector.broadcast %reduce_min3A_168 : i32 to vector<16xi32>
      %gather3A = tpu.vector_load_idx %arg4[%broadcast_in_dim3A_169] : memref<16384xf32, #tpu.memory_space<vmem>>[vector<16xi32>], vector<16xf32>,
      %gather3A_170 = tpu.vector_load_idx %arg5[%broadcast_in_dim3A_169] : memref<16384xf32, #tpu.memory_space<vmem>>[vector<16xi32>], vector<16xf32>,
      %gather3A_171 = tpu.vector_load_idx %arg6[%broadcast_in_dim3A_169] : memref<16384xf32, #tpu.memory_space<vmem>>[vector<16xi32>], vector<16xf32>,
      %eq3A_172 = arith.constant 0 : i32
      %eq3A_173 = arith.cmpi eq, %select_n3A_30, %eq3A_172 : i32
      %convert_element_type3A_174 = arith.extui %eq3A_173 : i1 to i32
      %cond3A_175 = arith.constant 0 : i32
      %cond3A_176 = arith.cmpi ne, %convert_element_type3A_174, %cond3A_175 : i32
      scf.if %cond3A_176 {
        %broadcast_in_dim3A_177 = vector.broadcast %scan3A_73 : i32 to vector<16xi32>
        tpu.vector_store_idx %arg8[%broadcast_in_dim3A_46, %broadcast_in_dim3A_177], %gather3A masked %eq3A_44 : memref<3x2048xf32, #tpu.memory_space<vmem>>[vector<16xi32>, vector<16xi32>], vector<16xf32>, vector<16xi1>
        %add3A_178 = arith.constant 1 : i32
        %add3A_179 = vector.broadcast %add3A_178 : i32 to vector<16xi32>
        %add3A_180 = arith.addi %broadcast_in_dim3A_46, %add3A_179 : vector<16xi32>
        tpu.vector_store_idx %arg8[%add3A_180, %broadcast_in_dim3A_177], %gather3A_170 masked %eq3A_44 : memref<3x2048xf32, #tpu.memory_space<vmem>>[vector<16xi32>, vector<16xi32>], vector<16xf32>, vector<16xi1>
        %add3A_181 = arith.constant 2 : i32
        %add3A_182 = vector.broadcast %add3A_181 : i32 to vector<16xi32>
        %add3A_183 = arith.addi %broadcast_in_dim3A_46, %add3A_182 : vector<16xi32>
        tpu.vector_store_idx %arg8[%add3A_183, %broadcast_in_dim3A_177], %gather3A_171 masked %eq3A_44 : memref<3x2048xf32, #tpu.memory_space<vmem>>[vector<16xi32>, vector<16xi32>], vector<16xf32>, vector<16xi1>
      } else {
      }
      scf.yield %gather3A, %gather3A_170, %gather3A_171 : vector<16xf32>, vector<16xf32>, vector<16xf32>
    }
    %scan3A_67 = arith.constant 2047 : i32
    %eq3A_68 = arith.constant 0 : i32
    %eq3A_69 = arith.cmpi eq, %select_n3A_30, %eq3A_68 : i32
    %convert_element_type3A_70 = arith.extui %eq3A_69 : i1 to i32
    %cond3A_71 = arith.constant 0 : i32
    %cond3A_72 = arith.cmpi ne, %convert_element_type3A_70, %cond3A_71 : i32
    scf.if %cond3A_72 {
      "tpu.region"() ({
        %run_scoped3A_73 = tpu.sem_alloc : memref<!tpu.dma_semaphore, #tpu.memory_space<semaphore_mem>>
        %dma_start3A = arith.constant 0 : i32
        %dma_start3A_74 = arith.constant 0 : i32
        %dma_start3A_75 = tpu.memref_slice %arg3[%add3A, %dma_start3A, %dma_start3A_74] : memref<8x3x2048xf32, #tpu.memory_space<hbm>> -> memref<1x3x2048xf32, #tpu.memory_space<hbm>>
        %dma_start3A_76 = tpu.memref_squeeze %dma_start3A_75 : memref<1x3x2048xf32, #tpu.memory_space<hbm>> -> memref<3x2048xf32, #tpu.memory_space<hbm>>
        %dma_start3A_77 = arith.constant 0 : i32
        %dma_start3A_78 = arith.constant 0 : i32
        %dma_start3A_79 = tpu.memref_slice %arg3[%add3A, %dma_start3A_77, %dma_start3A_78] : memref<8x3x2048xf32, #tpu.memory_space<hbm>> -> memref<1x3x2048xf32, #tpu.memory_space<hbm>>
        %dma_start3A_80 = tpu.memref_squeeze %dma_start3A_79 : memref<1x3x2048xf32, #tpu.memory_space<hbm>> -> memref<3x2048xf32, #tpu.memory_space<hbm>>
        tpu.enqueue_dma source(%arg8 : memref<3x2048xf32, #tpu.memory_space<vmem>>) target(%dma_start3A_80 : memref<3x2048xf32, #tpu.memory_space<hbm>>) target_semaphore(%run_scoped3A_73 : memref<!tpu.dma_semaphore, #tpu.memory_space<semaphore_mem>>)
        %dma_wait3A = arith.constant 0 : i32
        %dma_wait3A_81 = arith.constant 0 : i32
        %dma_wait3A_82 = tpu.memref_slice %arg3[%add3A, %dma_wait3A, %dma_wait3A_81] : memref<8x3x2048xf32, #tpu.memory_space<hbm>> -> memref<1x3x2048xf32, #tpu.memory_space<hbm>>
        %dma_wait3A_83 = tpu.memref_squeeze %dma_wait3A_82 : memref<1x3x2048xf32, #tpu.memory_space<hbm>> -> memref<3x2048xf32, #tpu.memory_space<hbm>>
        %dma_wait3A_84 = arith.constant 0 : i32
        %dma_wait3A_85 = arith.constant 0 : i32
        %dma_wait3A_86 = tpu.memref_slice %arg3[%add3A, %dma_wait3A_84, %dma_wait3A_85] : memref<8x3x2048xf32, #tpu.memory_space<hbm>> -> memref<1x3x2048xf32, #tpu.memory_space<hbm>>
        %dma_wait3A_87 = tpu.memref_squeeze %dma_wait3A_86 : memref<1x3x2048xf32, #tpu.memory_space<hbm>> -> memref<3x2048xf32, #tpu.memory_space<hbm>>
        tpu.wait_dma2 semaphore(%run_scoped3A_73 : memref<!tpu.dma_semaphore, #tpu.memory_space<semaphore_mem>>) src(%arg8 : memref<3x2048xf32, #tpu.memory_space<vmem>>) dst(%dma_wait3A_87 : memref<3x2048xf32, #tpu.memory_space<hbm>>)
        tpu.yield
      }) : () -> ()
    } else {
    }
    return
  }
}

</mosaic_0001>

<sc_bundles>
// kernel: kernel.3.cloned.1.call-start
scs
__scs_entry_jumppad:
0x0: {  	(pc) =	sbr.rel $0x88, $3  }
0x1: {  	(tag) =	ssettag $0x0;
	lr =	simm.s32 $0x1  }
0x2: {  	[smem:$0x3FA0] =	sst lr;
	_ =	strace $0xD0000000  }
0x3: {  	_ = 	snop  }
0x4: {  	_ = 	snop  }
0x5: {  	_ = 	snop  }
0x6: {  	_ = 	snop  }
0x7: {  	_ = 	snop  }
__scs_overlays_trampoline_lowered:
0x8: {  	[smem:$0x3FAF] =	sst s0  }
0x9: {  	[smem:$0x3FB0] =	sst s1  }
0xa: {  	[smem:$0x3FB1] =	sst s2  }
0xb: {  	[smem:$0x3FB2] =	sst s3  }
0xc: {  	[smem:$0x3FB3] =	sst s4  }
0xd: {  	[smem:$0x3FB4] =	sst s5  }
0xe: {  	[smem:$0x3FB5] =	sst s6  }
0xf: {  	[smem:$0x3FB6] =	sst s7  }
0x10: {  	[smem:$0x3FB7] =	sst s8  }
0x11: {  	[smem:$0x3FB8] =	sst s9;
	s0 =	simm.s32 @!p0 $0x0  }
0x12: {  	s1 =	sld [smem:$0x3F9E];
	s0 =	simm.s32 @p0 $0x1  }
0x13: {  	[smem:$0x3FB9] =	sst s0;
	s0 =	simm.s32 @!p1 $0x0  }
0x14: {  	s2 =	sld [smem:$0x3F9D];
	s0 =	simm.s32 @p1 $0x1  }
0x15: {  	[smem:$0x3FBA] =	sst s0;
	s0 =	simm.s32 @!p2 $0x0  }
0x16: {  	s3 =	sld [smem:$0x3FDB];
	s0 =	simm.s32 @p2 $0x1  }
0x17: {  	s4 =	simm.s32 $0x1BF5;
	[smem:$0x3FBC] =	sst s0  }
0x18: {  	s0 =	sld [smem:$0x3F9F];
	_ =	swait.ge [sflag:s4], $0x0  }
0x19: {  	s7 =	sld [smem:$0x3FA0]  }
0x1a: {  	s8 =	sadd.s32 $0xFFFFE003, lr  }
0x1b: {  	s9 =	sadd.s32 $0xFFFFFEF7, lr;
	s5 =	simm.s32 $0xFFFFFFFF;
	p2 =	slt.u32 s8, $0xFFFFF086  }
0x1c: {  	p1 =	slt.u32 s9, $0xF7A;
	s5 =	simm.s32 @!p2 $0x0  }
0x1d: {  	s5 =	simm.s32 @p1 $0x1;
	p0 =	seq.s32 s7, s2  }
0x1e: {  	s7 =	smul.u32 @!p0 $0xF7A, s2;
	p2 =	seq.s32 @!p0 s5, $0x0  }
0x1f: {  	s9 =	smul.u32 $0xF7A, s1;
	s8 =	simm.s32 @!p0 $0x1BF5;
	p2 =	por !p2, p0  }
0x20: {  	[sflag:s8] =	ssyncset.s32 @!p0 $0xFFFFF086;
	s6 =	sadd.s32 @!p0 s3, s7;
	s7 =	simm.s32 @!p0 $0x108  }
0x21: {  	s3 =	sadd.s32 s3, s9;
	s6 =	sadd.s32 @!p0 $0x88, s6;
	s7 =	simm.s32 @p2 $0x1082  }
0x22: {  	[simem:s7], [sflag:s8] =	dma.local @!p0 [hbm:s6], $0xF7A  }
0x23: {  	s9 =	sor.u32 $0xD0000000, s2;
	s6 =	simm.s32 $0x108;
	_ =	swait.ge @!p0 [sflag:s8], $0x0  }
0x24: {  	s3 =	sadd.s32 $0x88, s3;
	s6 =	simm.s32 @!p1 $0x1082;
	[sflag:s4] =	ssyncset.s32 $0xFFFFF086  }
0x25: {  	[simem:s6], [sflag:s4] =	dma.local [hbm:s3], $0xF7A  }
0x26: {  	[smem:$0x3FA0] =	sst s1;
	(tag) =	ssettag s2;
	_ =	strace s9  }
0x27: {  	s1 =	sld [smem:$0x3FB0]  }
0x28: {  	s2 =	sld [smem:$0x3FB1]  }
0x29: {  	s4 =	sld [smem:$0x3FB3]  }
0x2a: {  	p0 =	seq.s32 s5, $0x0;
	s5 =	sld [smem:$0x3FB4]  }
0x2b: {  	s6 =	sld [smem:$0x3FB5]  }
0x2c: {  	s7 =	sld [smem:$0x3FB6]  }
0x2d: {  	s3 =	simm.s32 $0x108;
	s8 =	sld [smem:$0x3FB7]  }
0x2e: {  	s3 =	simm.s32 @!p0 $0x1082;
	s9 =	sld [smem:$0x3FB8]  }
0x2f: {  	lr =	sadd.s32 s0, s3;
	s0 =	sld [smem:$0x3FAF]  }
0x30: {  	s3 =	sld [smem:$0x3FB2]  }
0x31: {  	[smem:$0x3FBB] =	sst s10  }
0x32: {  	s10 =	sld [smem:$0x3FB9];
	_ =	sdelay $0x3  }
0x33: {  	p0 =	seq.s32 s10, $0x1;
	s10 =	sld [smem:$0x3FBB];
	_ =	sdelay $0x3  }
0x34: {  	[smem:$0x3FBB] =	sst s10  }
0x35: {  	s10 =	sld [smem:$0x3FBA];
	_ =	sdelay $0x3  }
0x36: {  	p1 =	seq.s32 s10, $0x1;
	s10 =	sld [smem:$0x3FBB];
	_ =	sdelay $0x3  }
0x37: {  	[smem:$0x3FBB] =	sst s10  }
0x38: {  	s10 =	sld [smem:$0x3FBC]  }
0x39: {  	_ = 	snop;
	(pc) =	sbr.ind lr, $3  }
0x3a: {  	_ = 	snop  }
0x3b: {  	_ = 	snop  }
0x3c: {  	p2 =	seq.s32 s10, $0x1;
	s10 =	sld [smem:$0x3FBB]  }
0x3d: {  	_ =	shalt  }
0x3e: {  	_ =	shalt  }
0x3f: {  	_ =	shalt  }
0x40: {  	_ =	shalt  }
0x41: {  	_ =	shalt  }
0x42: {  	_ =	shalt  }
0x43: {  	_ =	shalt  }
0x44: {  	_ =	shalt  }
0x45: {  	_ =	shalt  }
0x46: {  	_ =	shalt  }
0x47: {  	_ =	shalt  }
0x48: {  	_ =	shalt  }
0x49: {  	_ =	shalt  }
0x4a: {  	_ =	shalt  }
0x4b: {  	_ =	shalt  }
0x4c: {  	_ =	shalt  }
0x4d: {  	_ =	shalt  }
0x4e: {  	_ =	shalt  }
0x4f: {  	_ =	shalt  }
0x50: {  	_ =	shalt  }
0x51: {  	_ =	shalt  }
0x52: {  	_ =	shalt  }
0x53: {  	_ =	shalt  }
0x54: {  	_ =	shalt  }
0x55: {  	_ =	shalt  }
0x56: {  	_ =	shalt  }
0x57: {  	_ =	shalt  }
0x58: {  	_ =	shalt  }
0x59: {  	_ =	shalt  }
0x5a: {  	_ =	shalt  }
0x5b: {  	_ =	shalt  }
0x5c: {  	_ =	shalt  }
0x5d: {  	_ =	shalt  }
0x5e: {  	_ =	shalt  }
0x5f: {  	_ =	shalt  }
0x60: {  	_ =	shalt  }
0x61: {  	_ =	shalt  }
0x62: {  	_ =	shalt  }
0x63: {  	_ =	shalt  }
0x64: {  	_ =	shalt  }
0x65: {  	_ =	shalt  }
0x66: {  	_ =	shalt  }
0x67: {  	_ =	shalt  }
0x68: {  	_ =	shalt  }
0x69: {  	_ =	shalt  }
0x6a: {  	_ =	shalt  }
0x6b: {  	_ =	shalt  }
0x6c: {  	_ =	shalt  }
0x6d: {  	_ =	shalt  }
0x6e: {  	_ =	shalt  }
0x6f: {  	_ =	shalt  }
0x70: {  	_ =	shalt  }
0x71: {  	_ =	shalt  }
0x72: {  	_ =	shalt  }
0x73: {  	_ =	shalt  }
0x74: {  	_ =	shalt  }
0x75: {  	_ =	shalt  }
0x76: {  	_ =	shalt  }
0x77: {  	_ =	shalt  }
0x78: {  	_ =	shalt  }
0x79: {  	_ =	shalt  }
0x7a: {  	_ =	shalt  }
0x7b: {  	_ =	shalt  }
0x7c: {  	_ =	shalt  }
0x7d: {  	_ =	shalt  }
0x7e: {  	_ =	shalt  }
0x7f: {  	_ =	shalt  }
0x80: {  	_ =	shalt  }
0x81: {  	_ =	shalt  }
0x82: {  	_ =	shalt  }
0x83: {  	_ =	shalt  }
0x84: {  	_ =	shalt  }
0x85: {  	_ =	shalt  }
0x86: {  	_ =	shalt  }
0x87: {  	_ =	shalt  }
.Lfunc_end0:
.L_simem_size_0:
called_computation_lowered:
.L_overlay_start_0:
0x88: {  	s2 =	sld [smem:$0x3FD9]  }
0x89: {  	s3 =	sld [smem:$0x3FFE];
	_ =	sdelay $0x1  }
0x8a: {  	s1 =	srdreg.scid  }
0x8b: {  	s0 =	sand.u32 $0x1, s1  }
0x8c: {  	s17 =	sshll.u32 s0, $0xA;
	s2 =	sadd.s32 s3, s2  }
0x8d: {  	s2 =	sadd.s32 s2, s17  }
0x8e: {  	[smem:$0x3FC7] =	sst s2  }
0x8f: {  	_ = 	snop  }
0x90: {  	s2 =	sld [smem:$0x3FD0];
	(tm) =	ssettm $0x1  }
0x91: {  	s18 =	sld [smem:$0x3FFB];
	_ =	sdelay $0x3  }
0x92: {  	_ =	strace s18  }
0x93: {  	s3 =	sld [smem:$0x3FFC];
	_ =	sdelay $0x3  }
0x94: {  	_ =	strace s3  }
0x95: {  	s3 =	sld [smem:$0x3FFD];
	_ =	sdelay $0x3  }
0x96: {  	_ =	strace s3  }
0x97: {  	_ =	strace $0x8FFFFFFF  }
0x98: {  	s19 =	sld [smem:$0x3FDB];
	_ =	sdelay $0x1  }
0x99: {  	s4 =	simm.s32 $_scs_section_size  }
0x9a: {  	s5 =	simm.s32 $_size__tile_overlayer_lowered;
	s6 =	simm.s32 $_tile_overlayer_lowered  }
0x9b: {  	s22 =	simm.s32 $0x1BFF;
	s21 =	sshll.u32 s6, $0x1;
	s3 =	sadd.s32 s4, s19  }
0x9c: {  	s7 =	simm.s32 $0x0;
	s20 =	sshll.u32 s5, $0x1;
	s5 =	sadd.s32 s21, s3  }
0x9d: {  	[timem:s7], [sflag:s22] =	dma.local [hbm:s5], s20  }
0x9e: {  	_ =	swait.ge [sflag:s22], s20  }
0x9f: {  	s4 =	ssub.s32 $0x0, s20;
	[sflag:s22] =	ssyncset.done $0x0  }
0xa0: {  	[sflag:s22] =	ssyncadd.s32 s4;
	_ =	sdelay $0x1  }
0xa1: {  	s23 =	simm.s32 $0x1B8B  }
0xa2: {  	_ =	swait.ge [sflag:s23], $0x1  }
0xa3: {  	[sflag:s23] =	ssyncset.done $0x0  }
0xa4: {  	s25 =	simm.s32 $0x1B8E;
	s24 =	sld [smem:$0x3FFE];
	[sflag:s23] =	ssyncadd.s32 $0xFFFFFFFF  }
0xa5: {  	s26 =	simm.s32 $execute0_lowered;
	[smem:$0x3FD2] =	sst s25  }
0xa6: {  	s5 =	sshll.u32 s26, $0x1;
	_ =	strace $0x80000046;
	[dreg:$0x1] =	wrdreg $0xFFFFFFFF  }
0xa7: {  	s28 =	simm.s32 $_size_execute0_lowered;
	s3 =	sadd.s32 s3, s5;
	[dreg:$0x0] =	wrdreg $0x0  }
0xa8: {  	s5 =	sshll.u32 s28, $0x1;
	[dreg:$0x2] =	wrdreg s3  }
0xa9: {  	[dreg:$0x3] =	wrdreg s5  }
0xaa: {  	[dreg:$0x4] =	wrdreg $0xC0  }
0xab: {  	_ =	task [dreg:s7], $0x5FFFF  }
0xac: {  	[dreg:$0x1] =	wrdreg $0xFFFFFFFF  }
0xad: {  	[dreg:$0x0] =	wrdreg $0x60  }
0xae: {  	[dreg:$0x2] =	wrdreg s24  }
0xaf: {  	[dreg:$0x3] =	wrdreg s2  }
0xb0: {  	[dreg:$0x4] =	wrdreg $0xE8A00  }
0xb1: {  	[dreg:$0x5] =	wrdreg $0x9  }
0xb2: {  	_ =	task.clear_ibuf [dreg:s7], $0x6FFFF;
	_ =	strace $0x90000046  }
0xb3: {  	s29 =	simm.s32 $0x9;
	_ =	strace $0x80000048  }
0xb4: {  	_ =	swait.ge [sflag:s29], $0x1  }
0xb5: {  	[sflag:s29] =	ssyncadd.s32 $0xFFFFFFFF  }
0xb6: {  	_ =	strace $0x90000048  }
0xb7: {  	_ =	sfence  }
0xb8: {  	s30 =	sld [smem:$0x0];
	_ =	sdelay $0x2  }
0xb9: {  	s31 =	sshll.u32 s1, $0xD;
	s1 =	sshrl.u32 s1, $0x2  }
0xba: {  	s3 =	sand.u32 $0x4000, s31;
	s1 =	sadd.s32 s1, s30  }
0xbb: {  	s0 =	sor.u32 s3, s0;
	s1 =	sshll.u32 s1, $0x11  }
0xbc: {  	s0 =	sor.u32 s1, s0  }
0xbd: {  	s0 =	sadd.s32 $0x8F2B, s0  }
0xbe: {  	[sflag:s0] =	ssyncadd.remote.s32 $0x1  }
0xbf: {  	_ =	sfence.sel $0xFFFF  }
0xc0: {  	[dreg:$0x0] =	wrdreg $0xFFFFFFFF;
	(pc) =	sbr.abs _section_cstart, $3  }
0xc1: {  	[dreg:$0x1] =	wrdreg $0xFFFFFFFF  }
0xc2: {  	_ =	task.clear_ibuf [dreg:s7], $0x2FFFF;
	_ =	strace $0x9FFFFFFF  }
0xc3: {  	(tm) =	ssettm $0x7FFFFFFF  }
tec
execute0_lowered:
.L_overlay_start_1:
0x0: {  	(tag) =	ssettag $0x1  }
0x1: {  	s4 =	rddreg [dreg:$0x0];
	s1 =	srdreg.scid  }
0x2: {  	s7 =	rddreg [dreg:$0x1];
	s0 =	stileid.u32  }
0x3: {  	s2 =	rddreg [dreg:$0x2];
	s3 =	simm.s32 $0x0;
	s12 =	simm.s32 $0x1  }
0x4: {  	s13 =	simm.s32 $0x4000;
	s14 =	simm.s32 $0x8000;
	s19 =	simm.s32 $0xD000  }
0x5: {  	s20 =	simm.s32 $0x0;
	s5 =	sand.u32 $0x1, s1;
	s1 =	rddreg [dreg:$0x3]  }
0x6: {  	s8 =	sshrl.u32 s0, $0x2;
	[smem:$0x7FF] =	sst s3;
	s15 =	sand.u32 $0x3, s0  }
0x7: {  	s16 =	sshll.u32 s0, $0x7;
	s6 =	sshll.u32 s5, $0x2;
	_ =	strace $0x80000047  }
0x8: {  	s5 =	ssub.s32 $0x2, s5;
	s18 =	sshll.u32 s15, $0xC;
	s6 =	sor.u32 s8, s6  }
0x9: {  	s17 =	sshll.u32 s8, $0x9;
	p0 =	sne.s32 s15, $0x0;
	s9 =	smul.u32 $0xC000, s6  }
0xa: {  	s15 =	sshrl.u32 s16, $0x2;
	s10 =	sshrl.u32 s5, $0x1;
	s11 =	smul.u32 $0x300, s6  }
.Ltmp0:
0xb: {  	s16 =	simm.s32 $0xE800;
	s10 =	ssub.s32 s5, s10;
	(pc) =	sbr.rel .LBB2_1-.Ltmp0, $4  }
0xc: {  	s17 =	sshrl.u32 s17, $0x2;
	s8 =	smax.u32 s10, $0x1;
	s9 =	sshrl.u32 s9, $0x3  }
0xd: {  	v0 =	vlaneseq.u32;
	s10 =	sor.u32 $0x8080, s18;
	s7 =	sadd.s32 s7, s11;
	s9 =	sadd.s32 s9, s4  }
0xe: {  	v0 =	vor.u32 s18, v0;
	s11 =	sor.u32 $0x4080, s18;
	s4 =	sadd.s32 $0x400, s9;
	s5 =	sadd.s32 $0xC00, s9  }
0xf: {  	[tilespmem:$0x1FFF0] =	vst v0;
	v0 =	vimm.f32 $+Inf;
	s6 =	sadd.s32 $0x1400, s9;
	s9 =	sor.u32 $0x80, s18;
	s18 =	simm.s32 $0xE820  }
.LBB2_8:
0x10: {  	[hbm4b:s7+s3] =	stream.linear.scatter [tilespmem:s19], [sflag:$0x1], $0x1800, $0x38;
	[tilespmem:$0xE8E0] =	vst v63  }
0x11: {  	_ =	swait.ge [sflag:s12], $0x1800  }
0x12: {  	[sflag:s12] =	ssyncset.done $0x0  }
0x13: {  	[sflag:s12] =	ssyncadd.s32 $0xFFFFE800  }
.LBB2_9:
0x14: {  	s20 =	sadd.s32 $0x1, s20  }
0x15: {  	p1 =	sne.s32 s20, s8  }
.Ltmp1:
0x16: {  	_ = 	snop;
	(pc) =	sbr.rel @!p1 .LBB2_10-.Ltmp1, $2  }
0x17: {  	_ =	sdelay $0x2  }
0x18: {  	v0 =	vimm.f32 $+Inf  }
.LBB2_1:
0x19: {  	[tilespmem:s3], [sflag:$0x1] =	stream.linear.gather [hbm4b:s4+s3], $0x4000, $0x38;
	[tilespmem:$0xE8E0] =	vst v63  }
0x1a: {  	_ =	swait.ge [sflag:s12], $0x4000  }
0x1b: {  	[sflag:s12] =	ssyncset.done $0x0  }
0x1c: {  	[sflag:s12] =	ssyncadd.s32 $0xFFFFC000  }
0x1d: {  	[tilespmem:s13], [sflag:$0x1] =	stream.linear.gather [hbm4b:s5+s3], $0x4000, $0x38;
	[tilespmem:$0xE8E0] =	vst v63  }
0x1e: {  	_ =	swait.ge [sflag:s12], $0x4000  }
0x1f: {  	[sflag:s12] =	ssyncset.done $0x0  }
0x20: {  	[sflag:s12] =	ssyncadd.s32 $0xFFFFC000  }
0x21: {  	[tilespmem:s14], [sflag:$0x1] =	stream.linear.gather [hbm4b:s6+s3], $0x4000, $0x38;
	[tilespmem:$0xE8E0] =	vst v63  }
0x22: {  	_ =	swait.ge [sflag:s12], $0x4000  }
0x23: {  	[sflag:s12] =	ssyncset.done $0x0  }
0x24: {  	s21 =	simm.s32 $0x40;
	s22 =	simm.s32 $0x0;
	[sflag:s12] =	ssyncadd.s32 $0xFFFFC000  }
.LBB2_2:
0x25: {  	p1 =	sne.s32 s21, $0x3FC0;
	[tilespmem:s22+$0xC000] =	vst v0;
	s22 =	smov.u32 s21;
	s21 =	sadd.s32 $0x40, s21  }
.Ltmp2:
0x26: {  	(pc) =	sbr.rel @p1 .LBB2_2-.Ltmp2, $2  }
0x27: {  	_ =	sdelay $0x2  }
0x28: {  	s22 =	sshra.s32 s22, $0x2  }
0x29: {  	[tilespmem:s22+$0xC000] =	vst v0  }
0x2a: {  	v5 =	vimm.s32 @!p0 $0x0;
	v2 =	vld.msk [tilespmem:$0x0 ss:$0x0], $0xffff  }
0x2b: {  	v6 =	vimm.s32 @!p0 $0x800;
	v3 =	vld.msk [tilespmem:$0x4000 ss:$0x0], $0xffff  }
0x2c: {  	v7 =	vimm.s32 @!p0 $0x1000;
	v4 =	vld.msk [tilespmem:$0x8000 ss:$0x0], $0xffff  }
.Ltmp3:
0x2d: {  	_ = 	snop;
	(pc) =	sbr.rel .LBB2_4-.Ltmp3, $4  }
0x2e: {  	s21 =	simm.s32 @!p0 $0xD000  }
0x2f: {  	[tilespmem:v5+s21+$0x0] =	vst.idx.msk @!p0 $0x1, v2  }
0x30: {  	[tilespmem:v6+s21+$0x0] =	vst.idx.msk @!p0 $0x1, v3  }
0x31: {  	[tilespmem:v7+s21+$0x0] =	vst.idx.msk @!p0 $0x1, v4;
	s21 =	simm.s32 $0x1  }
.LBB2_7:
0x32: {  	v0 =	vmov s21  }
0x33: {  	v1 =	vand.u32 $0x7FF, v0  }
0x34: {  	s21 =	sadd.s32 $0x1, s21;
	v5 =	vor.u32 $0x800, v1  }
0x35: {  	p1 =	seq.s32 s21, $0x800;
	v1 =	vor.u32 $0x1000, v1  }
.Ltmp4:
0x36: {  	_ = 	snop;
	(pc) =	sbr.rel @p1 .LBB2_8-.Ltmp4, $4  }
0x37: {  	_ = 	snop  }
0x38: {  	[tilespmem:v0+s19+$0x0] =	vst.idx.msk $0x1, v2  }
0x39: {  	[tilespmem:v5+s19+$0x0] =	vst.idx.msk $0x1, v3  }
0x3a: {  	[tilespmem:v1+s19+$0x0] =	vst.idx.msk $0x1, v4  }
.LBB2_4:
0x3b: {  	v5 =	vld [tilespmem:s11+$0x70]  }
0x3c: {  	v6 =	vld [tilespmem:s11+$0x60]  }
0x3d: {  	v7 =	vld [tilespmem:s9+$0x70]  }
0x3e: {  	v8 =	vld [tilespmem:s10+$0x70]  }
0x3f: {  	v9 =	vld [tilespmem:s11+$0x50]  }
0x40: {  	v10 =	vld [tilespmem:s9+$0x60]  }
0x41: {  	v11 =	vld [tilespmem:s10+$0x60]  }
0x42: {  	v12 =	vld [tilespmem:s11+$0x40]  }
0x43: {  	v13 =	vld [tilespmem:s9+$0x50]  }
0x44: {  	v14 =	vld [tilespmem:s10+$0x50]  }
0x45: {  	v15 =	vld [tilespmem:s11+$0x30]  }
0x46: {  	v16 =	vld [tilespmem:s9+$0x40]  }
0x47: {  	v17 =	vld [tilespmem:s10+$0x40]  }
0x48: {  	v18 =	vld [tilespmem:s11+$0x20]  }
0x49: {  	v19 =	vld [tilespmem:s9+$0x30]  }
0x4a: {  	v20 =	vld [tilespmem:s10+$0x30]  }
0x4b: {  	v21 =	vld [tilespmem:s11+$0x10]  }
0x4c: {  	v22 =	vld [tilespmem:s9+$0x20]  }
0x4d: {  	v23 =	vld [tilespmem:s10+$0x20]  }
0x4e: {  	v24 =	vld [tilespmem:s11+$0x0]  }
0x4f: {  	v25 =	vld [tilespmem:s9+$0x10]  }
0x50: {  	v28 =	vld [tilespmem:s10+$0x10]  }
0x51: {  	v1 =	vld [tilespmem:$0x1FFF0];
	v26 =	vsub.f32 v5, v3;
	v27 =	vsub.f32 v6, v3  }
0x52: {  	v31 =	vld [tilespmem:s11+$0xFFFFFFF0];
	v29 =	vsub.f32 v7, v2;
	v30 =	vsub.f32 v9, v3  }
0x53: {  	v32 =	vsub.f32 v8, v4;
	v36 =	vsub.f32 v10, v2;
	v10 =	vld [tilespmem:s9+$0x0]  }
0x54: {  	v34 =	vsub.f32 v11, v4;
	v35 =	vsub.f32 v12, v3;
	v11 =	vld [tilespmem:s10+$0x0]  }
0x55: {  	v0 =	vimm.f32 $-1.000000000e+00;
	v37 =	vsub.f32 v13, v2;
	v38 =	vsub.f32 v15, v3;
	v13 =	vld [tilespmem:s9+$0xFFFFFFB0]  }
0x56: {  	v41 =	vsub.f32 v14, v4;
	v42 =	vsub.f32 v16, v2;
	v14 =	vld [tilespmem:s9+$0xFFFFFFA0];
	v5 =	vadd.s32 $0xB0, v1  }
0x57: {  	v43 =	vsub.f32 v17, v4;
	v44 =	vsub.f32 v18, v3;
	v16 =	vld [tilespmem:s11+$0xFFFFFF80];
	[tilespmem:$0x1FFD0] =	vst v5;
	v5 =	vadd.s32 $0xA0, v1  }
0x58: {  	v39 =	vimm.s32 $0x0;
	v45 =	vsub.f32 v19, v2;
	v46 =	vsub.f32 v21, v3;
	v18 =	vld [tilespmem:s9+$0xFFFFFF80];
	[tilespmem:$0x1FFE0] =	vst v5  }
0x59: {  	v55 =	vadd.s32 $0xC0, v1;
	v47 =	vsub.f32 v20, v4;
	v48 =	vsub.f32 v22, v2;
	v19 =	vld [tilespmem:s10+$0xFFFFFF80]  }
0x5a: {  	v8 =	vadd.s32 $0x90, v1;
	v49 =	vsub.f32 v23, v4;
	v50 =	vsub.f32 v24, v3;
	v20 =	vld [tilespmem:s9+$0xFFFFFF90]  }
0x5b: {  	v9 =	vadd.s32 $0x80, v1;
	v51 =	vsub.f32 v25, v2;
	v52 =	vsub.f32 v31, v3;
	v22 =	vld [tilespmem:s10+$0xFFFFFF90]  }
0x5c: {  	v12 =	vadd.s32 $0x70, v1;
	v33 =	vsub.f32 v28, v4;
	v15 =	vadd.s32 $0x60, v1;
	v23 =	vld [tilespmem:s10+$0xFFFFFFA0]  }
0x5d: {  	v17 =	vadd.s32 $0x50, v1;
	v25 =	vld [tilespmem:s10+$0xFFFFFFB0];
	v5 =	vsub.f32 v10, v2;
	v40 =	vsub.f32 v11, v4  }
0x5e: {  	v21 =	vadd.s32 $0x40, v1;
	v11 =	vsub.f32 v13, v2;
	v13 =	vld [tilespmem:s11+$0xFFFFFF90];
	v16 =	vsub.f32 v16, v3  }
0x5f: {  	v58 =	vadd.s32 $0x20, v1;
	v28 =	vld [tilespmem:s9+$0xFFFFFFF0];
	v18 =	vsub.f32 v18, v2;
	v19 =	vsub.f32 v19, v4  }
0x60: {  	v14 =	vsub.f32 v14, v2;
	v16 =	vmul.f32 v16, v16;
	v20 =	vsub.f32 v20, v2  }
0x61: {  	s22 =	simm.s32 $0xC080;
	v24 =	vld [tilespmem:s11+$0xFFFFFFE0];
	v23 =	vsub.f32 v23, v4;
	v18 =	vmul.f32 v18, v18;
	v19 =	vmul.f32 v19, v19  }
0x62: {  	v31 =	vld [tilespmem:s22+$0xFFFFFF80];
	v14 =	vmul.f32 v14, v14;
	v22 =	vsub.f32 v22, v4;
	v25 =	vsub.f32 v25, v4  }
0x63: {  	v56 =	vld [tilespmem:s11+$0xFFFFFFA0];
	v13 =	vsub.f32 v13, v3;
	v23 =	vmul.f32 v23, v23;
	v18 =	vadd.f32 v19, v18  }
0x64: {  	v60 =	vsub.f32 v28, v2;
	v28 =	vld [tilespmem:s22+$0xFFFFFF90];
	v19 =	vmul.f32 v20, v20;
	v20 =	vmul.f32 v22, v22  }
0x65: {  	v11 =	vmul.f32 v11, v11;
	v22 =	vld [tilespmem:s11+$0xFFFFFFB0];
	v13 =	vmul.f32 v13, v13;
	v16 =	vadd.f32 v18, v16  }
0x66: {  	v18 =	vld [tilespmem:s9+$0xFFFFFFC0];
	v19 =	vadd.f32 v20, v19;
	v20 =	vadd.f32 v23, v14;
	v14 =	vmul.f32 v25, v25  }
0x67: {  	v10 =	vadd.s32 $0x30, v1;
	v59 =	vsub.f32 v24, v3;
	v24 =	vadd.s32 $0x10, v1;
	v23 =	vld [tilespmem:s10+$0xFFFFFFC0]  }
0x68: {  	v57 =	vmin.f32 v31, v16;
	v19 =	vadd.f32 v19, v13;
	v25 =	vadd.f32 v14, v11  }
0x69: {  	v16 =	vld [tilespmem:s11+$0xFFFFFFD0];
	v13 =	vmul.f32 v27, v27;
	v27 =	vsub.f32 v56, v3;
	v11 =	vmul.f32 v26, v26  }
0x6a: {  	v14 =	vmul.f32 v29, v29;
	v22 =	vsub.f32 v22, v3;
	vm0 =	vgt.f32 v57, v0  }
0x6b: {  	v29 =	vld [tilespmem:s22+$0xFFFFFFA0];
	v26 =	vmul.f32 v27, v27;
	v61 =	vmin.f32 v28, v19;
	v18 =	vsub.f32 v18, v2  }
0x6c: {  	v31 =	vld [tilespmem:s9+$0xFFFFFFE0];
	v19 =	vmul.f32 v36, v36;
	v36 =	vmul.f32 v50, v50;
	v23 =	vsub.f32 v23, v4  }
0x6d: {  	v22 =	vmul.f32 v22, v22;
	v26 =	vadd.f32 v20, v26;
	v27 =	vmul.f32 v18, v18  }
0x6e: {  	v28 =	vld [tilespmem:s11+$0xFFFFFFC0];
	v56 =	vsub.f32 v16, v3;
	v20 =	vmul.f32 v23, v23;
	v16 =	vmul.f32 v32, v32  }
0x6f: {  	v62 =	vadd.f32 v25, v22;
	v18 =	vmul.f32 v30, v30;
	v22 =	vmul.f32 v35, v35  }
0x70: {  	v54 =	vld [tilespmem:s10+$0xFFFFFFF0];
	v63 =	vsel vm0, v57, v0;
	v23 =	vmul.f32 v37, v37;
	v25 =	vmul.f32 v38, v38  }
0x71: {  	v30 =	vld [tilespmem:s9+$0xFFFFFFD0];
	v53 =	vmin.f32 v29, v26;
	v26 =	vmul.f32 v42, v42;
	v42 =	vsub.f32 v31, v2  }
0x72: {  	v32 =	vld [tilespmem:s10+$0xFFFFFFD0];
	v31 =	vmul.f32 v47, v47;
	v0 =	vadd.f32 v20, v27;
	v20 =	vsel vm0, v1, v39  }
0x73: {  	v29 =	vld [tilespmem:s10+$0xFFFFFFE0];
	vm0 =	vgt.f32 v61, v63;
	v37 =	vsub.f32 v28, v3;
	v28 =	vmul.f32 v44, v44  }
0x74: {  	v27 =	vmul.f32 v43, v43;
	v39 =	vsel vm0, v24, v20;
	v20 =	vmul.f32 v34, v34  }
0x75: {  	v54 =	vsub.f32 v54, v4;
	v24 =	vmul.f32 v41, v41;
	v34 =	vmul.f32 v48, v48  }
0x76: {  	v43 =	vld [tilespmem:s22+$0xFFFFFFB0];
	v41 =	vmul.f32 v52, v52;
	v52 =	vmul.f32 v59, v59;
	v35 =	vsub.f32 v30, v2  }
0x77: {  	v30 =	vmul.f32 v45, v45;
	v45 =	vmul.f32 v37, v37;
	v38 =	vsub.f32 v32, v4  }
0x78: {  	v32 =	vmul.f32 v46, v46;
	v37 =	vmul.f32 v51, v51;
	v44 =	vsub.f32 v29, v4  }
0x79: {  	v0 =	vadd.f32 v0, v45;
	v29 =	vmul.f32 v35, v35;
	v50 =	vmul.f32 v38, v38  }
0x7a: {  	v35 =	vmul.f32 v49, v49;
	v45 =	vsel vm0, v61, v63;
	v38 =	vmul.f32 v33, v33;
	v49 =	vld [tilespmem:s22+$0xFFFFFFC0]  }
0x7b: {  	v63 =	vmul.f32 v56, v56;
	v43 =	vmin.f32 v43, v62;
	v33 =	vld [tilespmem:s22+$0x60];
	vm0 =	vgt.f32 v53, v45  }
0x7c: {  	[tilespmem:s22+$0xFFFFFF80] =	vst v57;
	v44 =	vmul.f32 v44, v44;
	v46 =	vadd.f32 v50, v29;
	v29 =	vld [tilespmem:s22+$0x70];
	v50 =	vmul.f32 v42, v42  }
0x7d: {  	[tilespmem:s22+$0xFFFFFF90] =	vst v61;
	v61 =	vmul.f32 v60, v60;
	v48 =	vsel vm0, v58, v39;
	v42 =	vld [tilespmem:s22+$0xFFFFFFD0];
	v47 =	vsel vm0, v53, v45  }
0x7e: {  	[tilespmem:s22+$0xFFFFFFA0] =	vst v53;
	v39 =	vld [tilespmem:s22+$0x50];
	vm0 =	vgt.f32 v43, v47;
	v46 =	vadd.f32 v46, v63;
	v62 =	vadd.f32 v44, v50  }
0x7f: {  	[tilespmem:s22+$0xFFFFFFB0] =	vst v43;
	v45 =	vld [tilespmem:s22+$0xFFFFFFE0];
	v63 =	vmul.f32 v54, v54;
	v48 =	vsel vm0, v10, v48;
	v50 =	vsel vm0, v43, v47  }
0x80: {  	s23 =	simm.s32 $0x0;
	v43 =	vmul.f32 v5, v5;
	v44 =	vmul.f32 v40, v40;
	v40 =	vld [tilespmem:s22+$0x40];
	v10 =	vmovc v1;
	v51 =	vmin.f32 v49, v0  }
0x81: {  	s24 =	sadd.s32 $0x100, s11;
	s25 =	smov.u32 s9;
	s26 =	smov.u32 s10;
	v47 =	vld [tilespmem:s22+$0xFFFFFFF0];
	[tilespmem:s22+$0xFFFFFFC0] =	vst v51;
	vm0 =	vgt.f32 v51, v50;
	v49 =	vadd.f32 v62, v52;
	v52 =	vadd.f32 v63, v61  }
.LBB2_5:
0x82: {  	v0 =	vld [tilespmem:s24+$0x70]  }
0x83: {  	v54 =	vld [tilespmem:s22+$0x0]  }
0x84: {  	v56 =	vld [tilespmem:s22+$0x30]  }
0x85: {  	v57 =	vld [tilespmem:s22+$0x10]  }
0x86: {  	v50 =	vsel vm0, v51, v50;
	v21 =	vsel vm0, v21, v48;
	v43 =	vadd.f32 v44, v43;
	v58 =	vld [tilespmem:s24+$0x60]  }
0x87: {  	v37 =	vadd.f32 v38, v37;
	v34 =	vadd.f32 v35, v34;
	v59 =	vld [tilespmem:s22+$0x20];
	v42 =	vmin.f32 v42, v46  }
0x88: {  	v30 =	vadd.f32 v31, v30;
	v31 =	vld [tilespmem:s24+$0x50];
	v41 =	vadd.f32 v52, v41;
	vm0 =	vgt.f32 v42, v50  }
0x89: {  	s25 =	sadd.s32 $0x100, s25;
	v1 =	vld [tilespmem:$0x1FFE0];
	[tilespmem:s22+$0xFFFFFFD0] =	vst v42;
	v42 =	vsel vm0, v42, v50;
	v17 =	vsel vm0, v17, v21;
	v21 =	vmin.f32 v45, v49  }
0x8a: {  	s26 =	sadd.s32 $0x100, s26;
	v26 =	vadd.f32 v27, v26;
	v60 =	vld [tilespmem:s25+$0x70];
	v36 =	vadd.f32 v43, v36;
	vm0 =	vgt.f32 v21, v42  }
0x8b: {  	v27 =	vld [tilespmem:s26+$0x60];
	[tilespmem:s22+$0xFFFFFFE0] =	vst v21;
	v21 =	vsel vm0, v21, v42;
	v15 =	vsel vm0, v15, v17;
	v17 =	vmin.f32 v47, v41  }
0x8c: {  	v23 =	vadd.f32 v24, v23;
	v24 =	vld [tilespmem:s25+$0x50];
	v32 =	vadd.f32 v37, v32;
	vm0 =	vgt.f32 v17, v21  }
0x8d: {  	[tilespmem:s22+$0xFFFFFFF0] =	vst v17;
	v17 =	vsel vm0, v17, v21;
	v12 =	vsel vm0, v12, v15;
	v15 =	vmin.f32 v54, v36;
	v21 =	vld [tilespmem:s26+$0x70]  }
0x8e: {  	v19 =	vadd.f32 v20, v19;
	v28 =	vadd.f32 v34, v28;
	v62 =	vld [tilespmem:s24+$0xFFFFFFF0];
	vm0 =	vgt.f32 v15, v17  }
0x8f: {  	[tilespmem:s22+$0x0] =	vst v15;
	v15 =	vsel vm0, v15, v17;
	v9 =	vsel vm0, v9, v12;
	v12 =	vmin.f32 v57, v32;
	v17 =	vld [tilespmem:s25+$0x60]  }
0x90: {  	v25 =	vadd.f32 v30, v25;
	v22 =	vadd.f32 v26, v22;
	v63 =	vld [tilespmem:s25+$0x0];
	vm0 =	vgt.f32 v12, v15  }
0x91: {  	v18 =	vadd.f32 v23, v18;
	v0 =	vsub.f32 v0, v3;
	[tilespmem:s22+$0x10] =	vst v12;
	v12 =	vsel vm0, v12, v15;
	v15 =	vld [tilespmem:s24+$0x40]  }
0x92: {  	v26 =	vsub.f32 v58, v3;
	v8 =	vsel vm0, v8, v9;
	v9 =	vmin.f32 v59, v28;
	v30 =	vld [tilespmem:s25+$0x10]  }
0x93: {  	v31 =	vsub.f32 v31, v3;
	v27 =	vsub.f32 v27, v4;
	v61 =	vld [tilespmem:s26+$0x10];
	vm0 =	vgt.f32 v9, v12  }
0x94: {  	v24 =	vsub.f32 v24, v2;
	v28 =	vsub.f32 v60, v2;
	[tilespmem:s22+$0x20] =	vst v9;
	v9 =	vsel vm0, v9, v12;
	v12 =	vld [tilespmem:s26+$0x50]  }
0x95: {  	v32 =	vsub.f32 v21, v4;
	v7 =	vsel vm0, v1, v8;
	v8 =	vmin.f32 v56, v25;
	v1 =	vld [tilespmem:$0x1FFD0]  }
0x96: {  	v54 =	vsub.f32 v62, v3;
	v23 =	vld [tilespmem:s26+$0x20];
	vm0 =	vgt.f32 v8, v9;
	v35 =	vsub.f32 v17, v2  }
0x97: {  	v25 =	vld [tilespmem:s24+$0x0];
	[tilespmem:s22+$0x30] =	vst v8;
	v57 =	vsub.f32 v63, v2;
	v8 =	vsel vm0, v8, v9;
	v9 =	vadd.f32 v19, v13  }
0x98: {  	v20 =	vld [tilespmem:s24+$0x30];
	v13 =	vadd.f32 v16, v14;
	v37 =	vsub.f32 v15, v3  }
0x99: {  	v16 =	vld [tilespmem:s24+$0x20];
	v53 =	vsub.f32 v30, v2;
	v56 =	vsub.f32 v61, v4  }
0x9a: {  	v19 =	vld [tilespmem:s24+$0x10];
	v11 =	vadd.f32 v13, v11;
	v6 =	vsel vm0, v1, v7;
	v7 =	vmin.f32 v40, v22  }
0x9b: {  	v13 =	vld [tilespmem:s25+$0x30];
	v43 =	vsub.f32 v12, v4;
	v51 =	vsub.f32 v23, v4;
	vm0 =	vgt.f32 v7, v8  }
0x9c: {  	v22 =	vld [tilespmem:s25+$0x40];
	v52 =	vsub.f32 v25, v3;
	v38 =	vmul.f32 v56, v56;
	[tilespmem:s22+$0x40] =	vst v7;
	v7 =	vsel vm0, v7, v8  }
0x9d: {  	v23 =	vld [tilespmem:s24+$0xFFFFFFC0];
	v5 =	vsel vm0, v55, v6;
	v6 =	vmin.f32 v39, v18;
	v8 =	vadd.s32 $0xD0, v10  }
0x9e: {  	v41 =	vsub.f32 v20, v3;
	v46 =	vsub.f32 v16, v3;
	vm0 =	vgt.f32 v6, v7  }
0x9f: {  	v34 =	vld [tilespmem:s25+$0xFFFFFFC0];
	v48 =	vsub.f32 v19, v3;
	v36 =	vmul.f32 v52, v52;
	[tilespmem:s22+$0x50] =	vst v6;
	v6 =	vsel vm0, v6, v7  }
0xa0: {  	v30 =	vld [tilespmem:s26+$0xFFFFFFD0];
	v5 =	vsel vm0, v8, v5;
	v7 =	vmin.f32 v33, v9;
	v8 =	vadd.s32 $0xE0, v10  }
0xa1: {  	v14 =	vld [tilespmem:s26+$0x40];
	v47 =	vsub.f32 v13, v2;
	vm0 =	vgt.f32 v7, v6;
	v44 =	vsub.f32 v22, v2  }
0xa2: {  	v18 =	vld [tilespmem:s26+$0x30];
	v55 =	vsub.f32 v23, v3;
	v23 =	vmul.f32 v24, v24;
	v24 =	vmul.f32 v43, v43  }
0xa3: {  	v20 =	vld [tilespmem:s26+$0x0];
	v43 =	vmul.f32 v57, v57;
	v6 =	vsel vm0, v7, v6;
	v5 =	vsel vm0, v8, v5  }
0xa4: {  	v16 =	vld [tilespmem:s26+$0xFFFFFFF0];
	[tilespmem:s22+$0x60] =	vst v7;
	v7 =	vmin.f32 v29, v11;
	v8 =	vadd.s32 $0xF0, v10;
	v10 =	vadd.s32 $0x100, v10  }
0xa5: {  	v19 =	vld [tilespmem:s25+$0xFFFFFFE0];
	vm0 =	vgt.f32 v7, v6;
	v1 =	vadd.s32 $0xC0, v10;
	v9 =	vadd.s32 $0x80, v10  }
0xa6: {  	v52 =	vld [tilespmem:s26+$0xFFFFFF80];
	v45 =	vsub.f32 v14, v4;
	v12 =	vadd.s32 $0x70, v10;
	v15 =	vadd.s32 $0x60, v10  }
0xa7: {  	v25 =	vld [tilespmem:s25+$0xFFFFFFD0];
	v49 =	vsub.f32 v18, v4;
	v17 =	vadd.s32 $0x50, v10;
	v21 =	vadd.s32 $0x40, v10  }
0xa8: {  	v13 =	vld [tilespmem:s25+$0xFFFFFFF0];
	v40 =	vadd.s32 $0x30, v10;
	v39 =	vadd.s32 $0x20, v10;
	v58 =	vsub.f32 v20, v4  }
0xa9: {  	v22 =	vld [tilespmem:s26+$0xFFFFFFE0];
	v42 =	vadd.s32 $0x10, v10;
	v61 =	vsub.f32 v16, v4;
	v16 =	vmul.f32 v32, v32  }
0xaa: {  	v11 =	vld [tilespmem:s25+$0x20];
	v62 =	vsub.f32 v19, v2;
	v19 =	vmul.f32 v35, v35;
	v20 =	vmul.f32 v27, v27  }
0xab: {  	v14 =	vld [tilespmem:s24+$0xFFFFFFE0];
	v55 =	vmul.f32 v55, v55;
	v52 =	vsub.f32 v52, v4;
	v29 =	vsel vm0, v7, v6  }
0xac: {  	v18 =	vld [tilespmem:s24+$0xFFFFFFD0];
	v33 =	vsel vm0, v8, v5;
	[tilespmem:$0x1FFC0] =	vst v1;
	v1 =	vadd.s32 $0xB0, v10;
	v5 =	vsub.f32 v30, v4  }
0xad: {  	v32 =	vld [tilespmem:s24+$0xFFFFFFB0];
	v30 =	vmul.f32 v47, v47;
	v60 =	vsub.f32 v13, v2;
	v13 =	vmul.f32 v26, v26  }
0xae: {  	v35 =	vld [tilespmem:s26+$0xFFFFFFC0];
	v47 =	vsub.f32 v34, v2;
	v26 =	vmul.f32 v44, v44;
	v27 =	vmul.f32 v45, v45  }
0xaf: {  	v6 =	vld [tilespmem:s26+$0xFFFFFFB0];
	[tilespmem:$0x1FFD0] =	vst v1;
	v1 =	vadd.s32 $0xA0, v10;
	v62 =	vmul.f32 v62, v62;
	v52 =	vmul.f32 v52, v52  }
0xb0: {  	v44 =	vld [tilespmem:s24+$0xFFFFFF90];
	[tilespmem:$0x1FFE0] =	vst v1;
	v63 =	vsub.f32 v22, v4;
	v22 =	vmul.f32 v37, v37;
	v1 =	vsub.f32 v25, v2  }
0xb1: {  	v37 =	vld [tilespmem:s24+$0xFFFFFFA0];
	v25 =	vmul.f32 v41, v41;
	v50 =	vsub.f32 v11, v2;
	v11 =	vmul.f32 v0, v0  }
0xb2: {  	v41 =	vld [tilespmem:s25+$0xFFFFFFB0];
	v59 =	vsub.f32 v14, v3;
	v0 =	vsub.f32 v18, v3;
	v14 =	vmul.f32 v28, v28  }
0xb3: {  	v18 =	vmul.f32 v31, v31;
	v28 =	vmul.f32 v46, v46;
	v45 =	vsub.f32 v32, v3;
	v46 =	vld [tilespmem:s25+$0xFFFFFFA0]  }
0xb4: {  	v31 =	vmul.f32 v49, v49;
	v32 =	vmul.f32 v48, v48;
	v48 =	vld [tilespmem:s24+$0xFFFFFF80];
	v49 =	vsub.f32 v35, v4  }
0xb5: {  	v35 =	vmul.f32 v51, v51;
	v34 =	vmul.f32 v50, v50;
	v50 =	vld [tilespmem:s25+$0xFFFFFF80];
	v56 =	vsub.f32 v44, v3  }
0xb6: {  	v57 =	vmul.f32 v59, v59;
	v44 =	vmul.f32 v58, v58;
	v58 =	vld [tilespmem:s26+$0xFFFFFF90];
	v51 =	vsub.f32 v37, v3  }
0xb7: {  	v37 =	vmul.f32 v53, v53;
	v53 =	vsub.f32 v41, v2;
	v41 =	vmul.f32 v54, v54;
	v54 =	vld [tilespmem:s25+$0xFFFFFF90]  }
0xb8: {  	v8 =	vadd.s32 $0x90, v10;
	v59 =	vmul.f32 v60, v60;
	v60 =	vmul.f32 v61, v61;
	v61 =	vld [tilespmem:s26+$0xFFFFFFA0]  }
0xb9: {  	v5 =	vmul.f32 v5, v5;
	v47 =	vmul.f32 v47, v47;
	v6 =	vsub.f32 v6, v4  }
0xba: {  	v63 =	vmul.f32 v63, v63;
	v45 =	vmul.f32 v45, v45;
	v50 =	vsub.f32 v50, v2  }
0xbb: {  	v6 =	vmul.f32 v6, v6;
	v46 =	vsub.f32 v46, v2;
	v48 =	vsub.f32 v48, v3  }
0xbc: {  	[tilespmem:s22+$0x70] =	vst v7;
	s22 =	sadd.s32 $0x100, s22;
	v58 =	vsub.f32 v58, v4;
	v54 =	vsub.f32 v54, v2;
	v50 =	vmul.f32 v50, v50  }
0xbd: {  	v7 =	vld [tilespmem:s22+$0xFFFFFF80];
	v53 =	vmul.f32 v53, v53;
	v48 =	vmul.f32 v48, v48;
	v61 =	vsub.f32 v61, v4  }
0xbe: {  	v50 =	vadd.f32 v52, v50;
	v52 =	vmul.f32 v54, v54;
	v54 =	vmul.f32 v58, v58  }
0xbf: {  	v46 =	vmul.f32 v46, v46;
	v6 =	vadd.f32 v6, v53;
	v61 =	vmul.f32 v61, v61;
	v58 =	vld [tilespmem:s22+$0xFFFFFF90]  }
0xc0: {  	v48 =	vadd.f32 v50, v48;
	v50 =	vadd.f32 v54, v52;
	v52 =	vmul.f32 v56, v56  }
0xc1: {  	v49 =	vmul.f32 v49, v49;
	v51 =	vmul.f32 v51, v51;
	v6 =	vadd.f32 v6, v45;
	v54 =	vld [tilespmem:s22+$0xFFFFFFA0]  }
0xc2: {  	v45 =	vld [tilespmem:s22+$0xFFFFFFE0];
	v46 =	vadd.f32 v61, v46;
	v7 =	vmin.f32 v7, v48;
	v52 =	vadd.f32 v50, v52  }
0xc3: {  	v1 =	vmul.f32 v1, v1;
	v56 =	vadd.f32 v49, v47;
	v50 =	vld [tilespmem:s22+$0xFFFFFFB0];
	vm0 =	vgt.f32 v7, v29  }
0xc4: {  	v47 =	vld [tilespmem:s22+$0xFFFFFFF0];
	v46 =	vadd.f32 v46, v51;
	[tilespmem:s22+$0xFFFFFF80] =	vst v7;
	v7 =	vsel vm0, v7, v29;
	v48 =	vmin.f32 v58, v52  }
0xc5: {  	s23 =	sadd.s32 $0x10, s23;
	v0 =	vmul.f32 v0, v0;
	v33 =	vsel vm0, v10, v33;
	v58 =	vld [tilespmem:s22+$0xFFFFFFC0];
	vm0 =	vgt.f32 v48, v7  }
0xc6: {  	p1 =	slt.u32 s23, $0xF0;
	v49 =	vadd.f32 v56, v55;
	v55 =	vld [tilespmem:$0x1FFC0];
	v46 =	vmin.f32 v54, v46;
	v7 =	vsel vm0, v48, v7  }
.Ltmp5:
0xc7: {  	v1 =	vadd.f32 v5, v1;
	v29 =	vld [tilespmem:s22+$0x70];
	v61 =	vsel vm0, v42, v33;
	vm0 =	vgt.f32 v46, v7;
	(pc) =	sbr.rel @p1 .LBB2_5-.Ltmp5, $4  }
0xc8: {  	[tilespmem:s22+$0xFFFFFF90] =	vst v48;
	v33 =	vld [tilespmem:s22+$0x60];
	v6 =	vmin.f32 v50, v6;
	v5 =	vsel vm0, v46, v7;
	v7 =	vsel vm0, v39, v61  }
0xc9: {  	[tilespmem:s22+$0xFFFFFFA0] =	vst v46;
	v42 =	vld [tilespmem:s22+$0xFFFFFFD0];
	v46 =	vadd.f32 v1, v0;
	v0 =	vadd.f32 v63, v62;
	vm0 =	vgt.f32 v6, v5  }
0xca: {  	v52 =	vadd.f32 v60, v59;
	v39 =	vld [tilespmem:s22+$0x50];
	[tilespmem:s22+$0xFFFFFFB0] =	vst v6;
	v51 =	vmin.f32 v58, v49;
	v50 =	vsel vm0, v6, v5  }
0xcb: {  	s24 =	sadd.s32 $0x100, s24;
	v48 =	vsel vm0, v40, v7;
	v40 =	vld [tilespmem:s22+$0x40];
	[tilespmem:s22+$0xFFFFFFC0] =	vst v51;
	v49 =	vadd.f32 v0, v57;
	vm0 =	vgt.f32 v51, v50  }
0xcc: {  	_ =	sdelay $0x1  }
0xcd: {  	v0 =	vsel vm0, v51, v50;
	v2 =	vsel vm0, v21, v48;
	v1 =	vmin.f32 v42, v46  }
0xce: {  	v3 =	vadd.f32 v44, v43;
	v4 =	vld [tilespmem:s22+$0x0];
	v5 =	vadd.f32 v52, v41;
	vm15 =	vgt.f32 v1, v0  }
0xcf: {  	v56 =	vadd.f32 v38, v37;
	v6 =	vmin.f32 v45, v49;
	v0 =	vsel vm15, v1, v0  }
0xd0: {  	v7 =	vld [tilespmem:s22+$0x10];
	v57 =	vadd.f32 v35, v34;
	v60 =	vadd.f32 v31, v30;
	vm4 =	vgt.f32 v6, v0  }
0xd1: {  	v3 =	vadd.f32 v3, v36;
	v5 =	vmin.f32 v47, v5;
	v0 =	vsel vm4, v6, v0  }
0xd2: {  	v58 =	vld [tilespmem:s22+$0x20];
	v61 =	vadd.f32 v27, v26;
	v2 =	vsel vm15, v17, v2;
	vm5 =	vgt.f32 v5, v0  }
0xd3: {  	v17 =	vadd.f32 v56, v32;
	v3 =	vmin.f32 v4, v3;
	v0 =	vsel vm5, v5, v0  }
0xd4: {  	v63 =	vadd.f32 v24, v23;
	v59 =	vadd.f32 v57, v28;
	[tilespmem:s22+$0xFFFFFFD0] =	vst v1;
	v4 =	vld [tilespmem:s22+$0x30];
	vm6 =	vgt.f32 v3, v0  }
0xd5: {  	v62 =	vadd.f32 v61, v22;
	v1 =	vld [tilespmem:$0x1FFE0];
	[tilespmem:s22+$0xFFFFFFE0] =	vst v6;
	v7 =	vmin.f32 v7, v17;
	v0 =	vsel vm6, v3, v0  }
0xd6: {  	[tilespmem:s22+$0xFFFFFFF0] =	vst v5;
	v2 =	vsel vm4, v15, v2;
	v15 =	vadd.f32 v60, v25;
	vm7 =	vgt.f32 v7, v0  }
0xd7: {  	v2 =	vsel vm5, v12, v2;
	v12 =	vmin.f32 v58, v59;
	v5 =	vld [tilespmem:$0x1FFD0];
	v0 =	vsel vm7, v7, v0  }
0xd8: {  	v6 =	vadd.f32 v63, v18;
	v2 =	vsel vm6, v9, v2;
	vm8 =	vgt.f32 v12, v0  }
0xd9: {  	[tilespmem:s22+$0x0] =	vst v3;
	v4 =	vmin.f32 v4, v15;
	v3 =	vadd.f32 v16, v14;
	v0 =	vsel vm8, v12, v0  }
0xda: {  	v2 =	vsel vm7, v8, v2;
	v8 =	vmin.f32 v40, v62;
	vm9 =	vgt.f32 v4, v0  }
0xdb: {  	v1 =	vsel vm8, v1, v2;
	v2 =	vadd.f32 v20, v19;
	v0 =	vsel vm9, v4, v0  }
0xdc: {  	v3 =	vadd.f32 v3, v11;
	v1 =	vsel vm9, v5, v1;
	vm10 =	vgt.f32 v8, v0  }
0xdd: {  	v2 =	vadd.f32 v2, v13;
	v5 =	vmin.f32 v39, v6;
	v0 =	vsel vm10, v8, v0  }
0xde: {  	[tilespmem:s22+$0x10] =	vst v7;
	vm11 =	vgt.f32 v5, v0  }
0xdf: {  	[tilespmem:s22+$0x20] =	vst v12;
	v3 =	vmin.f32 v29, v3;
	v2 =	vmin.f32 v33, v2;
	v0 =	vsel vm11, v5, v0  }
0xe0: {  	[tilespmem:s22+$0x30] =	vst v4;
	v6 =	vadd.s32 $0xD0, v10;
	v1 =	vsel vm10, v55, v1;
	vm12 =	vgt.f32 v2, v0  }
0xe1: {  	[tilespmem:s22+$0x40] =	vst v8;
	v4 =	vadd.s32 $0xE0, v10;
	v1 =	vsel vm11, v6, v1;
	v0 =	vsel vm12, v2, v0  }
0xe2: {  	[tilespmem:s22+$0x70] =	vst v3;
	v1 =	vsel vm12, v4, v1;
	v4 =	vadd.s32 $0xF0, v10;
	vm13 =	vgt.f32 v3, v0  }
0xe3: {  	s23 =	sshll.u32 s21, $0x9;
	[tilespmem:s22+$0x50] =	vst v5;
	v1 =	vsel vm13, v4, v1  }
0xe4: {  	s29 =	sand.u32 $0x200, s23;
	[tilespmem:s22+$0x60] =	vst v2;
	v0 =	vsel vm13, v3, v0;
	v1 =	vcvt.s32.f32 v1  }
0xe5: {  	s22 =	sadd.s32 s29, s2;
	[tilespmem:$0xE800] =	vst v0  }
0xe6: {  	s30 =	sadd.s32 s15, s22;
	[tilespmem:$0xE810] =	vst v1  }
0xe7: {  	[spmem:s30] =	stream.linear.scatter [tilespmem:s16], [sflag:$0x1], $0x20, $0x38;
	[tilespmem:$0xE8E0] =	vst v63  }
0xe8: {  	_ =	swait.ge [sflag:s12], $0x20  }
0xe9: {  	[sflag:s12] =	ssyncset.done $0x0  }
0xea: {  	[sflag:s12] =	ssyncadd.s32 $0xFFFFFFE0  }
0xeb: {  	s22 =	sadd.s32 s17, s22;
	[bflag:$0x0] =	sbarrier.arrive $0xFFFF  }
0xec: {  	[tilespmem:s18], [sflag:$0x1] =	stream.linear.gather [spmem:s22], $0x80, $0x38;
	[tilespmem:$0xE8E0] =	vst v63  }
0xed: {  	_ =	swait.ge [sflag:s12], $0x80  }
0xee: {  	[sflag:s12] =	ssyncset.done $0x0  }
0xef: {  	[sflag:s12] =	ssyncadd.s32 $0xFFFFFF80  }
0xf0: {  	v0 =	vld [tilespmem:$0xE820]  }
0xf1: {  	v1 =	vld [tilespmem:$0xE840];
	_ =	sdelay $0x1  }
0xf2: {  	v2 =	vld [tilespmem:$0xE860];
	_ =	sdelay $0x1  }
0xf3: {  	v3 =	vld [tilespmem:$0xE880]  }
0xf4: {  	vm14 =	vgt.f32 v1, v0  }
0xf5: {  	v0 =	vsel vm14, v1, v0  }
0xf6: {  	vm1 =	vgt.f32 v2, v0  }
0xf7: {  	v1 =	vld [tilespmem:$0xE830];
	v0 =	vsel vm1, v2, v0  }
0xf8: {  	v2 =	vld [tilespmem:$0xE850];
	vm2 =	vgt.f32 v3, v0  }
0xf9: {  	v4 =	vld [tilespmem:$0xE870];
	v0 =	vsel vm2, v3, v0  }
0xfa: {  	v3 =	vld [tilespmem:$0xE890];
	(xrf0) =	vmax.scan.msk.f32 $0xffff, v0;
	_ =	sdelay $0x2  }
0xfb: {  	v1 =	vsel vm14, v2, v1  }
0xfc: {  	v1 =	vsel vm1, v4, v1  }
0xfd: {  	v1 =	vsel vm2, v3, v1  }
0xfe: {  	v1 =	vtrunc.f32 v1;
	v2, _, _ =	vpop (xrf0)  }
0xff: {  	v1 =	vcvt.f32.s32 v1;
	v2 =	vbroadcast v2, $0xF;
	_ =	sdelay $0x1  }
0x100: {  	vm15 =	veq.f32 v0, v2;
	v0 =	vxor.u32 $0x80000000, v1  }
0x101: {  	v0 =	vnsel vm15, $0xC0000000, v0  }
0x102: {  	(xrf0) =	vmin.scan.msk.u32 $0xffff, v0;
	_ =	sdelay $0x5  }
0x103: {  	v0, _, _ =	vpop (xrf0)  }
0x104: {  	(v2sf) =	vpush v0, $0xF;
	_ =	sdelay $0xe  }
0x105: {  	s31 =	spop (v2sf)  }
0x106: {  	s22 =	sxor.u32 $0x80000000, s31  }
0x107: {  	v0 =	vmov s22;
	_ =	sdelay $0x2  }
.Ltmp6:
0x108: {  	_ = 	snop;
	(pc) =	sbr.rel @!p0 .LBB2_7-.Ltmp6, $4  }
0x109: {  	_ = 	snop  }
0x10a: {  	v2 =	vld.idx.msk [tilespmem:v0+s3+$0x0], $0xffff  }
0x10b: {  	v3 =	vld.idx.msk [tilespmem:v0+s13+$0x0], $0xffff  }
0x10c: {  	v4 =	vld.idx.msk [tilespmem:v0+s14+$0x0], $0xffff  }
0x10d: {  	s21 =	sadd.s32 $0x1, s21  }
0x10e: {  	p1 =	seq.s32 s21, $0x800  }
.Ltmp7:
0x10f: {  	_ = 	snop;
	(pc) =	sbr.rel @!p1 .LBB2_4-.Ltmp7, $4  }
.Ltmp8:
0x110: {  	_ = 	snop;
	(pc) =	sbr.rel @p1 .LBB2_9-.Ltmp8, $4  }
0x111: {  	_ = 	snop  }
0x112: {  	_ = 	snop  }
0x113: {  	_ = 	snop  }
0x114: {  	_ = 	snop  }
.LBB2_10:
0x115: {  	_ =	sfence.sel $0x180000  }
0x116: {  	[bflag:$0x0] =	sbarrier.arrive $0xFFFF  }
0x117: {  	p0 =	sne.s32 s0, $0x0;
	_ =	strace $0x90000047  }
0x118: {  	s0 =	sadd.s32 @!p0 $0x100000, s1;
	[bflag:$0x2] =	sbarrier.arrive $0xFFFF  }
0x119: {  	[sflag:s0] =	ssyncadd.tile.s32 @!p0 $0x1;
	_ =	shalt  }
.Lfunc_end2:
_tile_overlayer_lowered:
.L_overlay_start_2:
0x11a: {  	(tag) =	ssettag $0x2  }
0x11b: {  	s0 =	rddreg [dreg:$0x0];
	s2 =	stileid.u32  }
0x11c: {  	s1 =	rddreg [dreg:$0x1];
	p0 =	sne.s32 s2, $0x0  }
0x11d: {  	s3 =	rddreg [dreg:$0x2];
	[bflag:$0x3] =	sbarrier.arrive $0xFFFF;
	s2 =	simm.s32 @!p0 $0x1C01  }
0x11e: {  	[timem:s3], [sflag:s2] =	dma.local @!p0 [hbm:s0], s1  }
0x11f: {  	s0 =	simm.s32 @!p0 $0x1  }
0x120: {  	_ =	swait.ge @!p0 [sflag:s0], s1  }
0x121: {  	s1 =	ssub.s32 @!p0 $0x0, s1;
	[sflag:s0] =	ssyncset.done @!p0 $0x0  }
0x122: {  	[sflag:s0] =	ssyncadd.s32 @!p0 s1  }
0x123: {  	[bflag:$0x3] =	sbarrier.arrive $0xFFFF  }
0x124: {  	_ =	shalt  }

</sc_bundles>
